<compile_context>
chip_gen: v7x
topology: tpu7x:2x2x1
jax: 0.10.2.dev20260603
libtpu: 0.0.44.dev20260713+nightly
codegen_flags: <defaults>
</compile_context>

<pallas_src>
import functools

import jax
import jax.numpy as jnp
from jax import lax
from jax.experimental import pallas as pl
from jax.experimental.pallas import tpu as pltpu
from jax.experimental.pallas import tpu_sc as plsc

N = 100000
E = 1600000
F = 165
H = 32
CLS = 2
EPS = 1e-5

NC = 2
NS = 16
NP = 100096
RP = NP // NS

CH = 625
NCHUNK = E // CH
NT_ALL = E // CH // NS // 2
NT_HALF = E // 2 // CH // NS // 2

BM = 2000

_mesh = plsc.VectorSubcoreMesh(core_axis_name="c", subcore_axis_name="s")
_sc_params = pltpu.CompilerParams(use_tc_tiling_on_sc=False)


def _wait_pair(src_hbm, dst_hbm, si, di, sem):
    pltpu.make_async_copy(src_hbm.at[0], si, sem).wait()
    pltpu.make_async_copy(dst_hbm.at[0], di, sem).wait()


def _fetch_pair(src_hbm, dst_hbm, si, di, chunk, sem):
    pltpu.async_copy(src_hbm.at[chunk], si, sem)
    pltpu.async_copy(dst_hbm.at[chunk], di, sem)


def _make_seg_kernel(split_features):
    nt = NT_ALL if split_features else NT_HALF

    @functools.partial(
        pl.kernel,
        out_type=jax.ShapeDtypeStruct((NC, NP, 16), jnp.float32),
        mesh=_mesh,
        compiler_params=_sc_params,
        scratch_types=[
            pltpu.VMEM((1, CH), jnp.int32),
            pltpu.VMEM((1, CH), jnp.int32),
            pltpu.VMEM((1, CH), jnp.int32),
            pltpu.VMEM((1, CH), jnp.int32),
            pltpu.VMEM((CH, 16), jnp.float32),
            pltpu.VMEM((CH, 16), jnp.float32),
            pltpu.VMEM_SHARED((NP, 16), jnp.float32),
            pltpu.SemaphoreType.DMA,
            pltpu.SemaphoreType.DMA,
            pltpu.SemaphoreType.DMA,
        ],
    )
    def _seg_kernel(y_hbm, src_hbm, dst_hbm, zeros_hbm, out_hbm,
                    si0, si1, di0, di1, rows0, rows1, acc_sh,
                    isem_a, isem_b, gsem):
        cid = lax.axis_index("c")
        sid = lax.axis_index("s")
        if split_features:
            ytab = y_hbm.at[cid]
            base = sid * (2 * nt)
        else:
            ytab = y_hbm
            base = cid * (NCHUNK // 2) + sid * (2 * nt)

        _fetch_pair(src_hbm, dst_hbm, si0, di0, base, isem_a)
        _fetch_pair(src_hbm, dst_hbm, si1, di1, base + 1, isem_b)
        pltpu.sync_copy(zeros_hbm, acc_sh.at[pl.ds(sid * RP, RP)])
        plsc.subcore_barrier()

        _wait_pair(src_hbm, dst_hbm, si0, di0, isem_a)
        pltpu.async_copy(ytab.at[si0.at[0]], rows0, gsem)

        @pl.loop(0, nt)
        def _(t):
            pltpu.make_async_copy(ytab.at[si0.at[0]], rows0, gsem).wait()
            _wait_pair(src_hbm, dst_hbm, si1, di1, isem_b)
            pltpu.async_copy(ytab.at[si1.at[0]], rows1, gsem)
            pltpu.sync_copy(rows0, acc_sh.at[di0.at[0]], add=True)

            @pl.when(t + 1 < nt)
            def _():
                _fetch_pair(src_hbm, dst_hbm, si0, di0, base + 2 * (t + 1),
                            isem_a)

            pltpu.make_async_copy(ytab.at[si1.at[0]], rows1, gsem).wait()
            pltpu.sync_copy(rows1, acc_sh.at[di1.at[0]], add=True)

            @pl.when(t + 1 < nt)
            def _():
                _fetch_pair(src_hbm, dst_hbm, si1, di1,
                            base + 2 * (t + 1) + 1, isem_b)
                _wait_pair(src_hbm, dst_hbm, si0, di0, isem_a)
                pltpu.async_copy(ytab.at[si0.at[0]], rows0, gsem)

        plsc.subcore_barrier()
        pltpu.sync_copy(acc_sh.at[pl.ds(sid * RP, RP)],
                        out_hbm.at[cid, pl.ds(sid * RP, RP)])

    return _seg_kernel


_seg32_kernel = _make_seg_kernel(split_features=True)
_seg16_kernel = _make_seg_kernel(split_features=False)


@functools.partial(
    pl.kernel,
    out_type=jax.ShapeDtypeStruct((NC, NP, 16), jnp.float32),
    mesh=_mesh,
    compiler_params=_sc_params,
    scratch_types=[
        pltpu.VMEM((1, CH), jnp.int32),
        pltpu.VMEM((1, CH), jnp.int32),
        pltpu.VMEM((CH, 16), jnp.float32),
        pltpu.VMEM_SHARED((NP, 16), jnp.float32),
        pltpu.SemaphoreType.DMA,
        pltpu.SemaphoreType.DMA,
    ],
)
def _deg_kernel(dst_hbm, ones_hbm, zeros_hbm, out_hbm,
                di0, di1, ones_v, acc_sh, isem_a, isem_b):
    cid = lax.axis_index("c")
    sid = lax.axis_index("s")
    base = cid * (NCHUNK // 2) + sid * (2 * NT_HALF)

    pltpu.async_copy(dst_hbm.at[base], di0, isem_a)
    pltpu.async_copy(dst_hbm.at[base + 1], di1, isem_b)
    pltpu.sync_copy(ones_hbm, ones_v)
    pltpu.sync_copy(zeros_hbm, acc_sh.at[pl.ds(sid * RP, RP)])
    plsc.subcore_barrier()

    @pl.loop(0, NT_HALF)
    def _(t):
        pltpu.make_async_copy(dst_hbm.at[0], di0, isem_a).wait()
        pltpu.sync_copy(ones_v, acc_sh.at[di0.at[0]], add=True)

        @pl.when(t + 1 < NT_HALF)
        def _():
            pltpu.async_copy(dst_hbm.at[base + 2 * (t + 1)], di0, isem_a)

        pltpu.make_async_copy(dst_hbm.at[0], di1, isem_b).wait()
        pltpu.sync_copy(ones_v, acc_sh.at[di1.at[0]], add=True)

        @pl.when(t + 1 < NT_HALF)
        def _():
            pltpu.async_copy(dst_hbm.at[base + 2 * (t + 1) + 1], di1, isem_b)

    plsc.subcore_barrier()
    pltpu.sync_copy(acc_sh.at[pl.ds(sid * RP, RP)],
                    out_hbm.at[cid, pl.ds(sid * RP, RP)])


def _m1_body(x_ref, w_ref, o_ref):
    o_ref[...] = jnp.dot(x_ref[...], w_ref[...],
                         preferred_element_type=jnp.float32)


def _s2_body(dp_ref, xw_ref, y3_ref, y32_ref, dis_ref):
    deg = dp_ref[0] + dp_ref[1] + 1.0
    dis16 = lax.rsqrt(deg)
    y = xw_ref[...] * jnp.concatenate([dis16, dis16], axis=1)
    y32_ref[...] = y
    dis_ref[...] = dis16[:, 0:1]
    y3_ref[0] = y[:, :16]
    y3_ref[1] = y[:, 16:]


def _c2a_body(zp_ref, y_ref, dis_ref, b1_ref, t_ref, st_ref):
    i = pl.program_id(0)
    z = jnp.concatenate([zp_ref[0], zp_ref[1]], axis=1)
    t = dis_ref[...] * (z + y_ref[...]) + b1_ref[...]
    t_ref[...] = t

    @pl.when(i == 0)
    def _():
        st_ref[...] = jnp.zeros_like(st_ref)

    st_ref[0:1, :] += jnp.sum(t, axis=0, keepdims=True)
    st_ref[1:2, :] += jnp.sum(t * t, axis=0, keepdims=True)


def _c2b_body(t_ref, st_ref, g_ref, be_ref, dis_ref, w2_ref, y2_ref):
    mean = st_ref[0:1, :] * (1.0 / N)
    var = st_ref[1:2, :] * (1.0 / N) - mean * mean
    inv = lax.rsqrt(var + EPS)
    h = (t_ref[...] - mean) * inv * g_ref[...] + be_ref[...]
    h = jnp.maximum(h, 0.0)
    y2 = jnp.dot(h, w2_ref[...], preferred_element_type=jnp.float32)
    y2 = y2 * dis_ref[...]
    y2_ref[...] = jnp.concatenate(
        [y2, jnp.zeros((y2.shape[0], 16 - CLS), jnp.float32)], axis=1)


def _c3_body(z2p_ref, y2_ref, dis_ref, b2_ref, o_ref):
    z2 = z2p_ref[0][:, :CLS] + z2p_ref[1][:, :CLS]
    o = dis_ref[...] * (z2 + y2_ref[:, :CLS]) + b2_ref[...]
    m = jnp.max(o, axis=1, keepdims=True)
    lse = m + jnp.log(jnp.sum(jnp.exp(o - m), axis=1, keepdims=True))
    o_ref[...] = o - lse


def kernel(x, edge_index, W1, b1, gamma, beta, W2, b2):
    ei = edge_index.astype(jnp.int32)
    src3 = ei[0].reshape(NCHUNK, 1, CH)
    dst3 = ei[1].reshape(NCHUNK, 1, CH)

    ones_ch = jnp.ones((CH, 16), jnp.float32)
    zeros_rp16 = jnp.zeros((RP, 16), jnp.float32)

    degp = _deg_kernel(dst3, ones_ch, zeros_rp16)

    xw = pl.pallas_call(
        _m1_body,
        grid=(N // BM,),
        in_specs=[
            pl.BlockSpec((BM, F), lambda i: (i, 0)),
            pl.BlockSpec((F, H), lambda i: (0, 0)),
        ],
        out_specs=pl.BlockSpec((BM, H), lambda i: (i, 0)),
        out_shape=jax.ShapeDtypeStruct((N, H), jnp.float32),
    )(x, W1)

    y3, y32, dis = pl.pallas_call(
        _s2_body,
        grid=(N // BM,),
        in_specs=[
            pl.BlockSpec((NC, BM, 16), lambda i: (0, i, 0)),
            pl.BlockSpec((BM, H), lambda i: (i, 0)),
        ],
        out_specs=[
            pl.BlockSpec((NC, BM, 16), lambda i: (0, i, 0)),
            pl.BlockSpec((BM, H), lambda i: (i, 0)),
            pl.BlockSpec((BM, 1), lambda i: (i, 0)),
        ],
        out_shape=[
            jax.ShapeDtypeStruct((NC, N, 16), jnp.float32),
            jax.ShapeDtypeStruct((N, H), jnp.float32),
            jax.ShapeDtypeStruct((N, 1), jnp.float32),
        ],
    )(degp, xw)

    zp = _seg32_kernel(y3, src3, dst3, zeros_rp16)

    t, st = pl.pallas_call(
        _c2a_body,
        grid=(N // BM,),
        in_specs=[
            pl.BlockSpec((NC, BM, 16), lambda i: (0, i, 0)),
            pl.BlockSpec((BM, H), lambda i: (i, 0)),
            pl.BlockSpec((BM, 1), lambda i: (i, 0)),
            pl.BlockSpec((1, H), lambda i: (0, 0)),
        ],
        out_specs=[
            pl.BlockSpec((BM, H), lambda i: (i, 0)),
            pl.BlockSpec((2, H), lambda i: (0, 0)),
        ],
        out_shape=[
            jax.ShapeDtypeStruct((N, H), jnp.float32),
            jax.ShapeDtypeStruct((2, H), jnp.float32),
        ],
    )(zp, y32, dis, b1.reshape(1, H))

    y2 = pl.pallas_call(
        _c2b_body,
        grid=(N // BM,),
        in_specs=[
            pl.BlockSpec((BM, H), lambda i: (i, 0)),
            pl.BlockSpec((2, H), lambda i: (0, 0)),
            pl.BlockSpec((1, H), lambda i: (0, 0)),
            pl.BlockSpec((1, H), lambda i: (0, 0)),
            pl.BlockSpec((BM, 1), lambda i: (i, 0)),
            pl.BlockSpec((H, CLS), lambda i: (0, 0)),
        ],
        out_specs=pl.BlockSpec((BM, 16), lambda i: (i, 0)),
        out_shape=jax.ShapeDtypeStruct((N, 16), jnp.float32),
    )(t, st, gamma.reshape(1, H), beta.reshape(1, H), dis, W2)

    z2p = _seg16_kernel(y2, src3, dst3, zeros_rp16)

    out = pl.pallas_call(
        _c3_body,
        grid=(N // BM,),
        in_specs=[
            pl.BlockSpec((NC, BM, 16), lambda i: (0, i, 0)),
            pl.BlockSpec((BM, 16), lambda i: (i, 0)),
            pl.BlockSpec((BM, 1), lambda i: (i, 0)),
            pl.BlockSpec((1, CLS), lambda i: (0, 0)),
        ],
        out_specs=pl.BlockSpec((BM, CLS), lambda i: (i, 0)),
        out_shape=jax.ShapeDtypeStruct((N, CLS), jnp.float32),
    )(z2p, y2, dis, b2.reshape(1, CLS))

    return out

# --- scband reference (transcript-rebuilt; emitter-appended) ---
"""Pipeline reference for scband-gcn-61701500174376 (READ-ONLY COPY).

The authoritative reference and input builder live on the scoring server;
editing this copy changes nothing except your own understanding.
"""

import jax, jax.numpy as jnp
import numpy as np

N_NODES = 100000
N_EDGES = 1600000
IN_FEAT = 165
HIDDEN = 32
N_CLASSES = 2
EPS = 1e-5


def setup_inputs(seed: int = 0) -> dict:
    key = jax.random.key(seed)
    ks = jax.random.split(key, 8)
    x = jax.random.normal(ks[0], (N_NODES, IN_FEAT), dtype=jnp.float32)
    edge_index = jax.random.randint(ks[1], (2, N_EDGES), 0, N_NODES, dtype=jnp.int64)
    # GCNConv weights (glorot-ish scale)
    W1 = jax.random.normal(ks[2], (IN_FEAT, HIDDEN), dtype=jnp.float32) * (1.0 / np.sqrt(IN_FEAT))
    b1 = jnp.zeros((HIDDEN,), dtype=jnp.float32)
    gamma = jnp.ones((HIDDEN,), dtype=jnp.float32)
    beta = jnp.zeros((HIDDEN,), dtype=jnp.float32)
    W2 = jax.random.normal(ks[3], (HIDDEN, N_CLASSES), dtype=jnp.float32) * (1.0 / np.sqrt(HIDDEN))
    b2 = jnp.zeros((N_CLASSES,), dtype=jnp.float32)
    return {"x": x, "edge_index": edge_index, "W1": W1, "b1": b1,
            "gamma": gamma, "beta": beta, "W2": W2, "b2": b2}


def _gcn_conv(x, W, b, src, dst, n):
    # PyG GCNConv: add self-loops, symmetric normalization D^-1/2 (A+I) D^-1/2
    loop = jnp.arange(n, dtype=src.dtype)
    s = jnp.concatenate([src, loop])
    d = jnp.concatenate([dst, loop])
    xw = x @ W
    ones = jnp.ones(s.shape[0], dtype=x.dtype)
    deg = jax.ops.segment_sum(ones, d, num_segments=n)
    dis = jnp.where(deg > 0, 1.0 / jnp.sqrt(deg), 0.0)
    norm = dis[s] * dis[d]
    msg = xw[s] * norm[:, None]
    out = jax.ops.segment_sum(msg, d, num_segments=n)
    return out + b


def _batchnorm_train(x, gamma, beta):
    mean = jnp.mean(x, axis=0)
    var = jnp.mean((x - mean) ** 2, axis=0)  # biased var, as PyTorch BN normalization
    return gamma * (x - mean) / jnp.sqrt(var + EPS) + beta


def reference(x, edge_index, W1, b1, gamma, beta, W2, b2):
    src = edge_index[0]
    dst = edge_index[1]
    n = x.shape[0]
    h = _gcn_conv(x, W1, b1, src, dst, n)
    h = _batchnorm_train(h, gamma, beta)
    h = jax.nn.relu(h)  # dropout p=0.0 -> identity
    out = _gcn_conv(h, W2, b2, src, dst, n)
    return jax.nn.log_softmax(out, axis=1)

if __name__ == "__main__":
    import jax
    _d = setup_inputs()
    print(jax.jit(kernel)(*tuple(_d.values())))

</pallas_src>

<mosaic_0001>
#map = affine_map<(d0, d1) -> (0, 0, 0)>
#map1 = affine_map<(d0, d1) -> (0, 0)>
module attributes {stable_mosaic.version = 14 : i64} {
  func.func @_deg_kernel(%arg0: i32, %arg1: i32, %arg2: memref<2560x1x625xi32, #tpu.memory_space<hbm>>, %arg3: memref<625x16xf32, #tpu.memory_space<hbm>>, %arg4: memref<6256x16xf32, #tpu.memory_space<hbm>>, %arg5: memref<2x100096x16xf32, #tpu.memory_space<hbm>>, %arg6: memref<1x625xi32, #tpu.memory_space<vmem>>, %arg7: memref<1x625xi32, #tpu.memory_space<vmem>>, %arg8: memref<625x16xf32, #tpu.memory_space<vmem>>, %arg9: memref<100096x16xf32, #tpu.memory_space<vmem_shared>>, %arg10: memref<!tpu.dma_semaphore, #tpu.memory_space<semaphore_mem>>, %arg11: memref<!tpu.dma_semaphore, #tpu.memory_space<semaphore_mem>>) attributes {dimension_semantics = [#tpu.dimension_semantics<core_parallel>, #tpu.dimension_semantics<subcore_parallel>], iteration_bounds = array<i64: 2, 16>, scalar_prefetch = 0 : i64, scratch_operands = 6 : i64, tpu.core_type = #tpu.core_type<sc_vector_subcore>, window_params = [{transform_indices = #map}, {transform_indices = #map1}, {transform_indices = #map1}, {transform_indices = #map}]} {
    %mul3A = arith.constant 1280 : i32
    %mul3A_0 = arith.muli %arg0, %mul3A : i32
    %mul3A_1 = arith.constant 80 : i32
    %mul3A_2 = arith.muli %arg1, %mul3A_1 : i32
    %add3A = arith.addi %mul3A_0, %mul3A_2 : i32
    %dma_start3A = arith.constant 0 : i32
    %dma_start3A_3 = arith.constant 0 : i32
    %dma_start3A_4 = tpu.memref_slice %arg2[%add3A, %dma_start3A, %dma_start3A_3] : memref<2560x1x625xi32, #tpu.memory_space<hbm>> -> memref<1x1x625xi32, #tpu.memory_space<hbm>>
    %dma_start3A_5 = tpu.memref_squeeze %dma_start3A_4 : memref<1x1x625xi32, #tpu.memory_space<hbm>> -> memref<1x625xi32, #tpu.memory_space<hbm>>
    %dma_start3A_6 = arith.constant 0 : i32
    %dma_start3A_7 = arith.constant 0 : i32
    %dma_start3A_8 = tpu.memref_slice %arg2[%add3A, %dma_start3A_6, %dma_start3A_7] : memref<2560x1x625xi32, #tpu.memory_space<hbm>> -> memref<1x1x625xi32, #tpu.memory_space<hbm>>
    %dma_start3A_9 = tpu.memref_squeeze %dma_start3A_8 : memref<1x1x625xi32, #tpu.memory_space<hbm>> -> memref<1x625xi32, #tpu.memory_space<hbm>>
    tpu.enqueue_dma source(%dma_start3A_9 : memref<1x625xi32, #tpu.memory_space<hbm>>) target(%arg6 : memref<1x625xi32, #tpu.memory_space<vmem>>) target_semaphore(%arg10 : memref<!tpu.dma_semaphore, #tpu.memory_space<semaphore_mem>>)
    %add3A_10 = arith.constant 1 : i32
    %add3A_11 = arith.addi %add3A, %add3A_10 : i32
    %dma_start3A_12 = arith.constant 0 : i32
    %dma_start3A_13 = arith.constant 0 : i32
    %dma_start3A_14 = tpu.memref_slice %arg2[%add3A_11, %dma_start3A_12, %dma_start3A_13] : memref<2560x1x625xi32, #tpu.memory_space<hbm>> -> memref<1x1x625xi32, #tpu.memory_space<hbm>>
    %dma_start3A_15 = tpu.memref_squeeze %dma_start3A_14 : memref<1x1x625xi32, #tpu.memory_space<hbm>> -> memref<1x625xi32, #tpu.memory_space<hbm>>
    %dma_start3A_16 = arith.constant 0 : i32
    %dma_start3A_17 = arith.constant 0 : i32
    %dma_start3A_18 = tpu.memref_slice %arg2[%add3A_11, %dma_start3A_16, %dma_start3A_17] : memref<2560x1x625xi32, #tpu.memory_space<hbm>> -> memref<1x1x625xi32, #tpu.memory_space<hbm>>
    %dma_start3A_19 = tpu.memref_squeeze %dma_start3A_18 : memref<1x1x625xi32, #tpu.memory_space<hbm>> -> memref<1x625xi32, #tpu.memory_space<hbm>>
    tpu.enqueue_dma source(%dma_start3A_19 : memref<1x625xi32, #tpu.memory_space<hbm>>) target(%arg7 : memref<1x625xi32, #tpu.memory_space<vmem>>) target_semaphore(%arg11 : memref<!tpu.dma_semaphore, #tpu.memory_space<semaphore_mem>>)
    "tpu.region"() ({
      %run_scoped3A = tpu.sem_alloc : memref<!tpu.dma_semaphore, #tpu.memory_space<semaphore_mem>>
      tpu.enqueue_dma source(%arg3 : memref<625x16xf32, #tpu.memory_space<hbm>>) target(%arg8 : memref<625x16xf32, #tpu.memory_space<vmem>>) target_semaphore(%run_scoped3A : memref<!tpu.dma_semaphore, #tpu.memory_space<semaphore_mem>>)
      tpu.wait_dma2 semaphore(%run_scoped3A : memref<!tpu.dma_semaphore, #tpu.memory_space<semaphore_mem>>) src(%arg3 : memref<625x16xf32, #tpu.memory_space<hbm>>) dst(%arg8 : memref<625x16xf32, #tpu.memory_space<vmem>>)
      tpu.yield
    }) : () -> ()
    %mul3A_20 = arith.constant 6256 : i32
    %mul3A_21 = arith.muli %arg1, %mul3A_20 : i32
    "tpu.region"() ({
      %run_scoped3A = tpu.sem_alloc : memref<!tpu.dma_semaphore, #tpu.memory_space<semaphore_mem>>
      %dma_start3A_31 = arith.constant 0 : i32
      %dma_start3A_32 = tpu.memref_slice %arg9[%mul3A_21, %dma_start3A_31] : memref<100096x16xf32, #tpu.memory_space<vmem_shared>> -> memref<6256x16xf32, #tpu.memory_space<vmem_shared>>
      tpu.enqueue_dma source(%arg4 : memref<6256x16xf32, #tpu.memory_space<hbm>>) target(%dma_start3A_32 : memref<6256x16xf32, #tpu.memory_space<vmem_shared>>) target_semaphore(%run_scoped3A : memref<!tpu.dma_semaphore, #tpu.memory_space<semaphore_mem>>)
      %dma_wait3A = arith.constant 0 : i32
      %dma_wait3A_33 = tpu.memref_slice %arg9[%mul3A_21, %dma_wait3A] : memref<100096x16xf32, #tpu.memory_space<vmem_shared>> -> memref<6256x16xf32, #tpu.memory_space<vmem_shared>>
      tpu.wait_dma2 semaphore(%run_scoped3A : memref<!tpu.dma_semaphore, #tpu.memory_space<semaphore_mem>>) src(%arg4 : memref<6256x16xf32, #tpu.memory_space<hbm>>) dst(%dma_wait3A_33 : memref<6256x16xf32, #tpu.memory_space<vmem_shared>>)
      tpu.yield
    }) : () -> ()
    %barrier3A = arith.constant 0 : index
    tpu.barrier barrier_id(%barrier3A)
    %scan3A = arith.constant 0 : i32
    %scan3A_22 = arith.constant 40 : i32
    %scan3A_23 = arith.addi %scan3A, %scan3A_22 : i32
    %scan3A_24 = arith.constant 1 : i32
    scf.for %scan3A_31 = %scan3A to %scan3A_23 step %scan3A_24  : i32 {
      %mul3A_32 = arith.constant 1 : i32
      %mul3A_33 = arith.muli %scan3A_31, %mul3A_32 : i32
      %add3A_34 = arith.constant 0 : i32
      %add3A_35 = arith.addi %add3A_34, %mul3A_33 : i32
      %dma_wait3A = arith.constant 0 : i32
      %dma_wait3A_36 = arith.constant 0 : i32
      %dma_wait3A_37 = arith.constant 0 : i32
      %dma_wait3A_38 = tpu.memref_slice %arg2[%dma_wait3A, %dma_wait3A_36, %dma_wait3A_37] : memref<2560x1x625xi32, #tpu.memory_space<hbm>> -> memref<1x1x625xi32, #tpu.memory_space<hbm>>
      %dma_wait3A_39 = tpu.memref_squeeze %dma_wait3A_38 : memref<1x1x625xi32, #tpu.memory_space<hbm>> -> memref<1x625xi32, #tpu.memory_space<hbm>>
      %dma_wait3A_40 = arith.constant 0 : i32
      %dma_wait3A_41 = arith.constant 0 : i32
      %dma_wait3A_42 = tpu.memref_slice %arg2[%dma_wait3A, %dma_wait3A_40, %dma_wait3A_41] : memref<2560x1x625xi32, #tpu.memory_space<hbm>> -> memref<1x1x625xi32, #tpu.memory_space<hbm>>
      %dma_wait3A_43 = tpu.memref_squeeze %dma_wait3A_42 : memref<1x1x625xi32, #tpu.memory_space<hbm>> -> memref<1x625xi32, #tpu.memory_space<hbm>>
      tpu.wait_dma2 semaphore(%arg10 : memref<!tpu.dma_semaphore, #tpu.memory_space<semaphore_mem>>) src(%dma_wait3A_43 : memref<1x625xi32, #tpu.memory_space<hbm>>) dst(%arg6 : memref<1x625xi32, #tpu.memory_space<vmem>>)
      %run_scoped3A = arith.constant 0 : i32
      "tpu.region"() ({
        %run_scoped3A_65 = tpu.sem_alloc : memref<!tpu.dma_semaphore, #tpu.memory_space<semaphore_mem>>
        %dma_start3A_66 = arith.constant 0 : i32
        %dma_start3A_67 = tpu.memref_slice %arg6[%run_scoped3A, %dma_start3A_66] : memref<1x625xi32, #tpu.memory_space<vmem>> -> memref<1x625xi32, #tpu.memory_space<vmem>>
        %dma_start3A_68 = tpu.memref_squeeze %dma_start3A_67 : memref<1x625xi32, #tpu.memory_space<vmem>> -> memref<625xi32, #tpu.memory_space<vmem>>
        %dma_start3A_69 = arith.constant 0 : i32
        %dma_start3A_70 = arith.constant 0 : i32
        %dma_start3A_71 = tpu.memref_slice %arg9[%dma_start3A_69, %dma_start3A_70] : memref<100096x16xf32, #tpu.memory_space<vmem_shared>> -> memref<100096x16xf32, #tpu.memory_space<vmem_shared>>
        tpu.enqueue_indirect_dma source(%arg8 : memref<625x16xf32, #tpu.memory_space<vmem>>) target(%dma_start3A_71 : memref<100096x16xf32, #tpu.memory_space<vmem_shared>>) offsets(%dma_start3A_68 : memref<625xi32, #tpu.memory_space<vmem>>) semaphore(%run_scoped3A_65 : memref<!tpu.dma_semaphore, #tpu.memory_space<semaphore_mem>>) {add = true}
        %dma_wait3A_72 = arith.constant 0 : i32
        %dma_wait3A_73 = tpu.memref_slice %arg6[%run_scoped3A, %dma_wait3A_72] : memref<1x625xi32, #tpu.memory_space<vmem>> -> memref<1x625xi32, #tpu.memory_space<vmem>>
        %dma_wait3A_74 = tpu.memref_squeeze %dma_wait3A_73 : memref<1x625xi32, #tpu.memory_space<vmem>> -> memref<625xi32, #tpu.memory_space<vmem>>
        %dma_wait3A_75 = arith.constant 0 : i32
        %dma_wait3A_76 = arith.constant 0 : i32
        %dma_wait3A_77 = tpu.memref_slice %arg9[%dma_wait3A_75, %dma_wait3A_76] : memref<100096x16xf32, #tpu.memory_space<vmem_shared>> -> memref<100096x16xf32, #tpu.memory_space<vmem_shared>>
        tpu.wait_indirect_dma semaphore(%run_scoped3A_65 : memref<!tpu.dma_semaphore, #tpu.memory_space<semaphore_mem>>) src(%arg8 : memref<625x16xf32, #tpu.memory_space<vmem>>) dst(%dma_wait3A_77 : memref<100096x16xf32, #tpu.memory_space<vmem_shared>>)
        tpu.yield
      }) : () -> ()
      %add3A_44 = arith.constant 1 : i32
      %add3A_45 = arith.addi %add3A_35, %add3A_44 : i32
      %lt3A = arith.constant 40 : i32
      %lt3A_46 = arith.cmpi slt, %add3A_45, %lt3A : i32
      %convert_element_type3A = arith.extui %lt3A_46 : i1 to i32
      %cond3A = arith.constant 0 : i32
      %cond3A_47 = arith.cmpi ne, %convert_element_type3A, %cond3A : i32
      scf.if %cond3A_47 {
        %add3A_65 = arith.constant 1 : i32
        %add3A_66 = arith.addi %add3A_35, %add3A_65 : i32
        %mul3A_67 = arith.constant 2 : i32
        %mul3A_68 = arith.muli %mul3A_67, %add3A_66 : i32
        %add3A_69 = arith.addi %add3A, %mul3A_68 : i32
        %dma_start3A_70 = arith.constant 0 : i32
        %dma_start3A_71 = arith.constant 0 : i32
        %dma_start3A_72 = tpu.memref_slice %arg2[%add3A_69, %dma_start3A_70, %dma_start3A_71] : memref<2560x1x625xi32, #tpu.memory_space<hbm>> -> memref<1x1x625xi32, #tpu.memory_space<hbm>>
        %dma_start3A_73 = tpu.memref_squeeze %dma_start3A_72 : memref<1x1x625xi32, #tpu.memory_space<hbm>> -> memref<1x625xi32, #tpu.memory_space<hbm>>
        %dma_start3A_74 = arith.constant 0 : i32
        %dma_start3A_75 = arith.constant 0 : i32
        %dma_start3A_76 = tpu.memref_slice %arg2[%add3A_69, %dma_start3A_74, %dma_start3A_75] : memref<2560x1x625xi32, #tpu.memory_space<hbm>> -> memref<1x1x625xi32, #tpu.memory_space<hbm>>
        %dma_start3A_77 = tpu.memref_squeeze %dma_start3A_76 : memref<1x1x625xi32, #tpu.memory_space<hbm>> -> memref<1x625xi32, #tpu.memory_space<hbm>>
        tpu.enqueue_dma source(%dma_start3A_77 : memref<1x625xi32, #tpu.memory_space<hbm>>) target(%arg6 : memref<1x625xi32, #tpu.memory_space<vmem>>) target_semaphore(%arg10 : memref<!tpu.dma_semaphore, #tpu.memory_space<semaphore_mem>>)
      } else {
      }
      %dma_wait3A_48 = arith.constant 0 : i32
      %dma_wait3A_49 = arith.constant 0 : i32
      %dma_wait3A_50 = arith.constant 0 : i32
      %dma_wait3A_51 = tpu.memref_slice %arg2[%dma_wait3A_48, %dma_wait3A_49, %dma_wait3A_50] : memref<2560x1x625xi32, #tpu.memory_space<hbm>> -> memref<1x1x625xi32, #tpu.memory_space<hbm>>
      %dma_wait3A_52 = tpu.memref_squeeze %dma_wait3A_51 : memref<1x1x625xi32, #tpu.memory_space<hbm>> -> memref<1x625xi32, #tpu.memory_space<hbm>>
      %dma_wait3A_53 = arith.constant 0 : i32
      %dma_wait3A_54 = arith.constant 0 : i32
      %dma_wait3A_55 = tpu.memref_slice %arg2[%dma_wait3A_48, %dma_wait3A_53, %dma_wait3A_54] : memref<2560x1x625xi32, #tpu.memory_space<hbm>> -> memref<1x1x625xi32, #tpu.memory_space<hbm>>
      %dma_wait3A_56 = tpu.memref_squeeze %dma_wait3A_55 : memref<1x1x625xi32, #tpu.memory_space<hbm>> -> memref<1x625xi32, #tpu.memory_space<hbm>>
      tpu.wait_dma2 semaphore(%arg11 : memref<!tpu.dma_semaphore, #tpu.memory_space<semaphore_mem>>) src(%dma_wait3A_56 : memref<1x625xi32, #tpu.memory_space<hbm>>) dst(%arg7 : memref<1x625xi32, #tpu.memory_space<vmem>>)
      %run_scoped3A_57 = arith.constant 0 : i32
      "tpu.region"() ({
        %run_scoped3A_65 = tpu.sem_alloc : memref<!tpu.dma_semaphore, #tpu.memory_space<semaphore_mem>>
        %dma_start3A_66 = arith.constant 0 : i32
        %dma_start3A_67 = tpu.memref_slice %arg7[%run_scoped3A_57, %dma_start3A_66] : memref<1x625xi32, #tpu.memory_space<vmem>> -> memref<1x625xi32, #tpu.memory_space<vmem>>
        %dma_start3A_68 = tpu.memref_squeeze %dma_start3A_67 : memref<1x625xi32, #tpu.memory_space<vmem>> -> memref<625xi32, #tpu.memory_space<vmem>>
        %dma_start3A_69 = arith.constant 0 : i32
        %dma_start3A_70 = arith.constant 0 : i32
        %dma_start3A_71 = tpu.memref_slice %arg9[%dma_start3A_69, %dma_start3A_70] : memref<100096x16xf32, #tpu.memory_space<vmem_shared>> -> memref<100096x16xf32, #tpu.memory_space<vmem_shared>>
        tpu.enqueue_indirect_dma source(%arg8 : memref<625x16xf32, #tpu.memory_space<vmem>>) target(%dma_start3A_71 : memref<100096x16xf32, #tpu.memory_space<vmem_shared>>) offsets(%dma_start3A_68 : memref<625xi32, #tpu.memory_space<vmem>>) semaphore(%run_scoped3A_65 : memref<!tpu.dma_semaphore, #tpu.memory_space<semaphore_mem>>) {add = true}
        %dma_wait3A_72 = arith.constant 0 : i32
        %dma_wait3A_73 = tpu.memref_slice %arg7[%run_scoped3A_57, %dma_wait3A_72] : memref<1x625xi32, #tpu.memory_space<vmem>> -> memref<1x625xi32, #tpu.memory_space<vmem>>
        %dma_wait3A_74 = tpu.memref_squeeze %dma_wait3A_73 : memref<1x625xi32, #tpu.memory_space<vmem>> -> memref<625xi32, #tpu.memory_space<vmem>>
        %dma_wait3A_75 = arith.constant 0 : i32
        %dma_wait3A_76 = arith.constant 0 : i32
        %dma_wait3A_77 = tpu.memref_slice %arg9[%dma_wait3A_75, %dma_wait3A_76] : memref<100096x16xf32, #tpu.memory_space<vmem_shared>> -> memref<100096x16xf32, #tpu.memory_space<vmem_shared>>
        tpu.wait_indirect_dma semaphore(%run_scoped3A_65 : memref<!tpu.dma_semaphore, #tpu.memory_space<semaphore_mem>>) src(%arg8 : memref<625x16xf32, #tpu.memory_space<vmem>>) dst(%dma_wait3A_77 : memref<100096x16xf32, #tpu.memory_space<vmem_shared>>)
        tpu.yield
      }) : () -> ()
      %add3A_58 = arith.constant 1 : i32
      %add3A_59 = arith.addi %add3A_35, %add3A_58 : i32
      %lt3A_60 = arith.constant 40 : i32
      %lt3A_61 = arith.cmpi slt, %add3A_59, %lt3A_60 : i32
      %convert_element_type3A_62 = arith.extui %lt3A_61 : i1 to i32
      %cond3A_63 = arith.constant 0 : i32
      %cond3A_64 = arith.cmpi ne, %convert_element_type3A_62, %cond3A_63 : i32
      scf.if %cond3A_64 {
        %add3A_65 = arith.constant 1 : i32
        %add3A_66 = arith.addi %add3A_35, %add3A_65 : i32
        %mul3A_67 = arith.constant 2 : i32
        %mul3A_68 = arith.muli %mul3A_67, %add3A_66 : i32
        %add3A_69 = arith.addi %add3A, %mul3A_68 : i32
        %add3A_70 = arith.constant 1 : i32
        %add3A_71 = arith.addi %add3A_69, %add3A_70 : i32
        %dma_start3A_72 = arith.constant 0 : i32
        %dma_start3A_73 = arith.constant 0 : i32
        %dma_start3A_74 = tpu.memref_slice %arg2[%add3A_71, %dma_start3A_72, %dma_start3A_73] : memref<2560x1x625xi32, #tpu.memory_space<hbm>> -> memref<1x1x625xi32, #tpu.memory_space<hbm>>
        %dma_start3A_75 = tpu.memref_squeeze %dma_start3A_74 : memref<1x1x625xi32, #tpu.memory_space<hbm>> -> memref<1x625xi32, #tpu.memory_space<hbm>>
        %dma_start3A_76 = arith.constant 0 : i32
        %dma_start3A_77 = arith.constant 0 : i32
        %dma_start3A_78 = tpu.memref_slice %arg2[%add3A_71, %dma_start3A_76, %dma_start3A_77] : memref<2560x1x625xi32, #tpu.memory_space<hbm>> -> memref<1x1x625xi32, #tpu.memory_space<hbm>>
        %dma_start3A_79 = tpu.memref_squeeze %dma_start3A_78 : memref<1x1x625xi32, #tpu.memory_space<hbm>> -> memref<1x625xi32, #tpu.memory_space<hbm>>
        tpu.enqueue_dma source(%dma_start3A_79 : memref<1x625xi32, #tpu.memory_space<hbm>>) target(%arg7 : memref<1x625xi32, #tpu.memory_space<vmem>>) target_semaphore(%arg11 : memref<!tpu.dma_semaphore, #tpu.memory_space<semaphore_mem>>)
      } else {
      }
    }
    %scan3A_25 = arith.constant 40 : i32
    %barrier3A_26 = arith.constant 0 : index
    tpu.barrier barrier_id(%barrier3A_26)
    %mul3A_27 = arith.constant 6256 : i32
    %mul3A_28 = arith.muli %arg1, %mul3A_27 : i32
    %mul3A_29 = arith.constant 6256 : i32
    %mul3A_30 = arith.muli %arg1, %mul3A_29 : i32
    "tpu.region"() ({
      %run_scoped3A = tpu.sem_alloc : memref<!tpu.dma_semaphore, #tpu.memory_space<semaphore_mem>>
      %dma_start3A_31 = arith.constant 0 : i32
      %dma_start3A_32 = tpu.memref_slice %arg5[%arg0, %mul3A_30, %dma_start3A_31] : memref<2x100096x16xf32, #tpu.memory_space<hbm>> -> memref<1x6256x16xf32, #tpu.memory_space<hbm>>
      %dma_start3A_33 = tpu.memref_squeeze %dma_start3A_32 : memref<1x6256x16xf32, #tpu.memory_space<hbm>> -> memref<6256x16xf32, #tpu.memory_space<hbm>>
      %dma_start3A_34 = arith.constant 0 : i32
      %dma_start3A_35 = tpu.memref_slice %arg9[%mul3A_28, %dma_start3A_34] : memref<100096x16xf32, #tpu.memory_space<vmem_shared>> -> memref<6256x16xf32, #tpu.memory_space<vmem_shared>>
      tpu.enqueue_dma source(%dma_start3A_35 : memref<6256x16xf32, #tpu.memory_space<vmem_shared>>) target(%dma_start3A_33 : memref<6256x16xf32, #tpu.memory_space<hbm>>) target_semaphore(%run_scoped3A : memref<!tpu.dma_semaphore, #tpu.memory_space<semaphore_mem>>)
      %dma_wait3A = arith.constant 0 : i32
      %dma_wait3A_36 = tpu.memref_slice %arg5[%arg0, %mul3A_30, %dma_wait3A] : memref<2x100096x16xf32, #tpu.memory_space<hbm>> -> memref<1x6256x16xf32, #tpu.memory_space<hbm>>
      %dma_wait3A_37 = tpu.memref_squeeze %dma_wait3A_36 : memref<1x6256x16xf32, #tpu.memory_space<hbm>> -> memref<6256x16xf32, #tpu.memory_space<hbm>>
      %dma_wait3A_38 = arith.constant 0 : i32
      %dma_wait3A_39 = tpu.memref_slice %arg9[%mul3A_28, %dma_wait3A_38] : memref<100096x16xf32, #tpu.memory_space<vmem_shared>> -> memref<6256x16xf32, #tpu.memory_space<vmem_shared>>
      tpu.wait_dma2 semaphore(%run_scoped3A : memref<!tpu.dma_semaphore, #tpu.memory_space<semaphore_mem>>) src(%dma_wait3A_39 : memref<6256x16xf32, #tpu.memory_space<vmem_shared>>) dst(%dma_wait3A_37 : memref<6256x16xf32, #tpu.memory_space<hbm>>)
      tpu.yield
    }) : () -> ()
    return
  }
}

#map = affine_map<(d0, d1) -> (0, 0, 0)>
#map1 = affine_map<(d0, d1) -> (0, 0)>
module attributes {stable_mosaic.version = 14 : i64} {
  func.func @_seg_kernel(%arg0: i32, %arg1: i32, %arg2: memref<2x100000x16xf32, #tpu.memory_space<hbm>>, %arg3: memref<2560x1x625xi32, #tpu.memory_space<hbm>>, %arg4: memref<2560x1x625xi32, #tpu.memory_space<hbm>>, %arg5: memref<6256x16xf32, #tpu.memory_space<hbm>>, %arg6: memref<2x100096x16xf32, #tpu.memory_space<hbm>>, %arg7: memref<1x625xi32, #tpu.memory_space<vmem>>, %arg8: memref<1x625xi32, #tpu.memory_space<vmem>>, %arg9: memref<1x625xi32, #tpu.memory_space<vmem>>, %arg10: memref<1x625xi32, #tpu.memory_space<vmem>>, %arg11: memref<625x16xf32, #tpu.memory_space<vmem>>, %arg12: memref<625x16xf32, #tpu.memory_space<vmem>>, %arg13: memref<100096x16xf32, #tpu.memory_space<vmem_shared>>, %arg14: memref<!tpu.dma_semaphore, #tpu.memory_space<semaphore_mem>>, %arg15: memref<!tpu.dma_semaphore, #tpu.memory_space<semaphore_mem>>, %arg16: memref<!tpu.dma_semaphore, #tpu.memory_space<semaphore_mem>>) attributes {dimension_semantics = [#tpu.dimension_semantics<core_parallel>, #tpu.dimension_semantics<subcore_parallel>], iteration_bounds = array<i64: 2, 16>, scalar_prefetch = 0 : i64, scratch_operands = 10 : i64, tpu.core_type = #tpu.core_type<sc_vector_subcore>, window_params = [{transform_indices = #map}, {transform_indices = #map}, {transform_indices = #map}, {transform_indices = #map1}, {transform_indices = #map}]} {
    %mul3A = arith.constant 160 : i32
    %mul3A_0 = arith.muli %arg1, %mul3A : i32
    %dma_start3A = arith.constant 0 : i32
    %dma_start3A_1 = arith.constant 0 : i32
    %dma_start3A_2 = tpu.memref_slice %arg3[%mul3A_0, %dma_start3A, %dma_start3A_1] : memref<2560x1x625xi32, #tpu.memory_space<hbm>> -> memref<1x1x625xi32, #tpu.memory_space<hbm>>
    %dma_start3A_3 = tpu.memref_squeeze %dma_start3A_2 : memref<1x1x625xi32, #tpu.memory_space<hbm>> -> memref<1x625xi32, #tpu.memory_space<hbm>>
    %dma_start3A_4 = arith.constant 0 : i32
    %dma_start3A_5 = arith.constant 0 : i32
    %dma_start3A_6 = tpu.memref_slice %arg3[%mul3A_0, %dma_start3A_4, %dma_start3A_5] : memref<2560x1x625xi32, #tpu.memory_space<hbm>> -> memref<1x1x625xi32, #tpu.memory_space<hbm>>
    %dma_start3A_7 = tpu.memref_squeeze %dma_start3A_6 : memref<1x1x625xi32, #tpu.memory_space<hbm>> -> memref<1x625xi32, #tpu.memory_space<hbm>>
    tpu.enqueue_dma source(%dma_start3A_7 : memref<1x625xi32, #tpu.memory_space<hbm>>) target(%arg7 : memref<1x625xi32, #tpu.memory_space<vmem>>) target_semaphore(%arg14 : memref<!tpu.dma_semaphore, #tpu.memory_space<semaphore_mem>>)
    %dma_start3A_8 = arith.constant 0 : i32
    %dma_start3A_9 = arith.constant 0 : i32
    %dma_start3A_10 = tpu.memref_slice %arg4[%mul3A_0, %dma_start3A_8, %dma_start3A_9] : memref<2560x1x625xi32, #tpu.memory_space<hbm>> -> memref<1x1x625xi32, #tpu.memory_space<hbm>>
    %dma_start3A_11 = tpu.memref_squeeze %dma_start3A_10 : memref<1x1x625xi32, #tpu.memory_space<hbm>> -> memref<1x625xi32, #tpu.memory_space<hbm>>
    %dma_start3A_12 = arith.constant 0 : i32
    %dma_start3A_13 = arith.constant 0 : i32
    %dma_start3A_14 = tpu.memref_slice %arg4[%mul3A_0, %dma_start3A_12, %dma_start3A_13] : memref<2560x1x625xi32, #tpu.memory_space<hbm>> -> memref<1x1x625xi32, #tpu.memory_space<hbm>>
    %dma_start3A_15 = tpu.memref_squeeze %dma_start3A_14 : memref<1x1x625xi32, #tpu.memory_space<hbm>> -> memref<1x625xi32, #tpu.memory_space<hbm>>
    tpu.enqueue_dma source(%dma_start3A_15 : memref<1x625xi32, #tpu.memory_space<hbm>>) target(%arg9 : memref<1x625xi32, #tpu.memory_space<vmem>>) target_semaphore(%arg14 : memref<!tpu.dma_semaphore, #tpu.memory_space<semaphore_mem>>)
    %add3A = arith.constant 1 : i32
    %add3A_16 = arith.addi %mul3A_0, %add3A : i32
    %dma_start3A_17 = arith.constant 0 : i32
    %dma_start3A_18 = arith.constant 0 : i32
    %dma_start3A_19 = tpu.memref_slice %arg3[%add3A_16, %dma_start3A_17, %dma_start3A_18] : memref<2560x1x625xi32, #tpu.memory_space<hbm>> -> memref<1x1x625xi32, #tpu.memory_space<hbm>>
    %dma_start3A_20 = tpu.memref_squeeze %dma_start3A_19 : memref<1x1x625xi32, #tpu.memory_space<hbm>> -> memref<1x625xi32, #tpu.memory_space<hbm>>
    %dma_start3A_21 = arith.constant 0 : i32
    %dma_start3A_22 = arith.constant 0 : i32
    %dma_start3A_23 = tpu.memref_slice %arg3[%add3A_16, %dma_start3A_21, %dma_start3A_22] : memref<2560x1x625xi32, #tpu.memory_space<hbm>> -> memref<1x1x625xi32, #tpu.memory_space<hbm>>
    %dma_start3A_24 = tpu.memref_squeeze %dma_start3A_23 : memref<1x1x625xi32, #tpu.memory_space<hbm>> -> memref<1x625xi32, #tpu.memory_space<hbm>>
    tpu.enqueue_dma source(%dma_start3A_24 : memref<1x625xi32, #tpu.memory_space<hbm>>) target(%arg8 : memref<1x625xi32, #tpu.memory_space<vmem>>) target_semaphore(%arg15 : memref<!tpu.dma_semaphore, #tpu.memory_space<semaphore_mem>>)
    %dma_start3A_25 = arith.constant 0 : i32
    %dma_start3A_26 = arith.constant 0 : i32
    %dma_start3A_27 = tpu.memref_slice %arg4[%add3A_16, %dma_start3A_25, %dma_start3A_26] : memref<2560x1x625xi32, #tpu.memory_space<hbm>> -> memref<1x1x625xi32, #tpu.memory_space<hbm>>
    %dma_start3A_28 = tpu.memref_squeeze %dma_start3A_27 : memref<1x1x625xi32, #tpu.memory_space<hbm>> -> memref<1x625xi32, #tpu.memory_space<hbm>>
    %dma_start3A_29 = arith.constant 0 : i32
    %dma_start3A_30 = arith.constant 0 : i32
    %dma_start3A_31 = tpu.memref_slice %arg4[%add3A_16, %dma_start3A_29, %dma_start3A_30] : memref<2560x1x625xi32, #tpu.memory_space<hbm>> -> memref<1x1x625xi32, #tpu.memory_space<hbm>>
    %dma_start3A_32 = tpu.memref_squeeze %dma_start3A_31 : memref<1x1x625xi32, #tpu.memory_space<hbm>> -> memref<1x625xi32, #tpu.memory_space<hbm>>
    tpu.enqueue_dma source(%dma_start3A_32 : memref<1x625xi32, #tpu.memory_space<hbm>>) target(%arg10 : memref<1x625xi32, #tpu.memory_space<vmem>>) target_semaphore(%arg15 : memref<!tpu.dma_semaphore, #tpu.memory_space<semaphore_mem>>)
    %mul3A_33 = arith.constant 6256 : i32
    %mul3A_34 = arith.muli %arg1, %mul3A_33 : i32
    "tpu.region"() ({
      %run_scoped3A = tpu.sem_alloc : memref<!tpu.dma_semaphore, #tpu.memory_space<semaphore_mem>>
      %dma_start3A_72 = arith.constant 0 : i32
      %dma_start3A_73 = tpu.memref_slice %arg13[%mul3A_34, %dma_start3A_72] : memref<100096x16xf32, #tpu.memory_space<vmem_shared>> -> memref<6256x16xf32, #tpu.memory_space<vmem_shared>>
      tpu.enqueue_dma source(%arg5 : memref<6256x16xf32, #tpu.memory_space<hbm>>) target(%dma_start3A_73 : memref<6256x16xf32, #tpu.memory_space<vmem_shared>>) target_semaphore(%run_scoped3A : memref<!tpu.dma_semaphore, #tpu.memory_space<semaphore_mem>>)
      %dma_wait3A_74 = arith.constant 0 : i32
      %dma_wait3A_75 = tpu.memref_slice %arg13[%mul3A_34, %dma_wait3A_74] : memref<100096x16xf32, #tpu.memory_space<vmem_shared>> -> memref<6256x16xf32, #tpu.memory_space<vmem_shared>>
      tpu.wait_dma2 semaphore(%run_scoped3A : memref<!tpu.dma_semaphore, #tpu.memory_space<semaphore_mem>>) src(%arg5 : memref<6256x16xf32, #tpu.memory_space<hbm>>) dst(%dma_wait3A_75 : memref<6256x16xf32, #tpu.memory_space<vmem_shared>>)
      tpu.yield
    }) : () -> ()
    %barrier3A = arith.constant 0 : index
    tpu.barrier barrier_id(%barrier3A)
    %dma_wait3A = arith.constant 0 : i32
    %dma_wait3A_35 = arith.constant 0 : i32
    %dma_wait3A_36 = arith.constant 0 : i32
    %dma_wait3A_37 = tpu.memref_slice %arg3[%dma_wait3A, %dma_wait3A_35, %dma_wait3A_36] : memref<2560x1x625xi32, #tpu.memory_space<hbm>> -> memref<1x1x625xi32, #tpu.memory_space<hbm>>
    %dma_wait3A_38 = tpu.memref_squeeze %dma_wait3A_37 : memref<1x1x625xi32, #tpu.memory_space<hbm>> -> memref<1x625xi32, #tpu.memory_space<hbm>>
    %dma_wait3A_39 = arith.constant 0 : i32
    %dma_wait3A_40 = arith.constant 0 : i32
    %dma_wait3A_41 = tpu.memref_slice %arg3[%dma_wait3A, %dma_wait3A_39, %dma_wait3A_40] : memref<2560x1x625xi32, #tpu.memory_space<hbm>> -> memref<1x1x625xi32, #tpu.memory_space<hbm>>
    %dma_wait3A_42 = tpu.memref_squeeze %dma_wait3A_41 : memref<1x1x625xi32, #tpu.memory_space<hbm>> -> memref<1x625xi32, #tpu.memory_space<hbm>>
    tpu.wait_dma2 semaphore(%arg14 : memref<!tpu.dma_semaphore, #tpu.memory_space<semaphore_mem>>) src(%dma_wait3A_42 : memref<1x625xi32, #tpu.memory_space<hbm>>) dst(%arg7 : memref<1x625xi32, #tpu.memory_space<vmem>>)
    %dma_wait3A_43 = arith.constant 0 : i32
    %dma_wait3A_44 = arith.constant 0 : i32
    %dma_wait3A_45 = arith.constant 0 : i32
    %dma_wait3A_46 = tpu.memref_slice %arg4[%dma_wait3A_43, %dma_wait3A_44, %dma_wait3A_45] : memref<2560x1x625xi32, #tpu.memory_space<hbm>> -> memref<1x1x625xi32, #tpu.memory_space<hbm>>
    %dma_wait3A_47 = tpu.memref_squeeze %dma_wait3A_46 : memref<1x1x625xi32, #tpu.memory_space<hbm>> -> memref<1x625xi32, #tpu.memory_space<hbm>>
    %dma_wait3A_48 = arith.constant 0 : i32
    %dma_wait3A_49 = arith.constant 0 : i32
    %dma_wait3A_50 = tpu.memref_slice %arg4[%dma_wait3A_43, %dma_wait3A_48, %dma_wait3A_49] : memref<2560x1x625xi32, #tpu.memory_space<hbm>> -> memref<1x1x625xi32, #tpu.memory_space<hbm>>
    %dma_wait3A_51 = tpu.memref_squeeze %dma_wait3A_50 : memref<1x1x625xi32, #tpu.memory_space<hbm>> -> memref<1x625xi32, #tpu.memory_space<hbm>>
    tpu.wait_dma2 semaphore(%arg14 : memref<!tpu.dma_semaphore, #tpu.memory_space<semaphore_mem>>) src(%dma_wait3A_51 : memref<1x625xi32, #tpu.memory_space<hbm>>) dst(%arg9 : memref<1x625xi32, #tpu.memory_space<vmem>>)
    %dma_start3A_52 = arith.constant 0 : i32
    %dma_start3A_53 = arith.constant 0 : i32
    %dma_start3A_54 = tpu.memref_slice %arg7[%dma_start3A_52, %dma_start3A_53] : memref<1x625xi32, #tpu.memory_space<vmem>> -> memref<1x625xi32, #tpu.memory_space<vmem>>
    %dma_start3A_55 = tpu.memref_squeeze %dma_start3A_54 : memref<1x625xi32, #tpu.memory_space<vmem>> -> memref<625xi32, #tpu.memory_space<vmem>>
    %dma_start3A_56 = arith.constant 0 : i32
    %dma_start3A_57 = arith.constant 0 : i32
    %dma_start3A_58 = tpu.memref_slice %arg2[%arg0, %dma_start3A_56, %dma_start3A_57] : memref<2x100000x16xf32, #tpu.memory_space<hbm>> -> memref<1x100000x16xf32, #tpu.memory_space<hbm>>
    %dma_start3A_59 = tpu.memref_squeeze %dma_start3A_58 : memref<1x100000x16xf32, #tpu.memory_space<hbm>> -> memref<100000x16xf32, #tpu.memory_space<hbm>>
    %dma_start3A_60 = arith.constant 0 : i32
    %dma_start3A_61 = arith.constant 0 : i32
    %dma_start3A_62 = tpu.memref_slice %dma_start3A_59[%dma_start3A_60, %dma_start3A_61] : memref<100000x16xf32, #tpu.memory_space<hbm>> -> memref<100000x16xf32, #tpu.memory_space<hbm>>
    tpu.enqueue_indirect_dma source(%dma_start3A_62 : memref<100000x16xf32, #tpu.memory_space<hbm>>) target(%arg11 : memref<625x16xf32, #tpu.memory_space<vmem>>) offsets(%dma_start3A_55 : memref<625xi32, #tpu.memory_space<vmem>>) semaphore(%arg16 : memref<!tpu.dma_semaphore, #tpu.memory_space<semaphore_mem>>)
    %scan3A = arith.constant 0 : i32
    %scan3A_63 = arith.constant 80 : i32
    %scan3A_64 = arith.addi %scan3A, %scan3A_63 : i32
    %scan3A_65 = arith.constant 1 : i32
    scf.for %scan3A_72 = %scan3A to %scan3A_64 step %scan3A_65  : i32 {
      %mul3A_73 = arith.constant 1 : i32
      %mul3A_74 = arith.muli %scan3A_72, %mul3A_73 : i32
      %add3A_75 = arith.constant 0 : i32
      %add3A_76 = arith.addi %add3A_75, %mul3A_74 : i32
      %dma_wait3A_77 = arith.constant 0 : i32
      %dma_wait3A_78 = arith.constant 0 : i32
      %dma_wait3A_79 = tpu.memref_slice %arg7[%dma_wait3A_77, %dma_wait3A_78] : memref<1x625xi32, #tpu.memory_space<vmem>> -> memref<1x625xi32, #tpu.memory_space<vmem>>
      %dma_wait3A_80 = tpu.memref_squeeze %dma_wait3A_79 : memref<1x625xi32, #tpu.memory_space<vmem>> -> memref<625xi32, #tpu.memory_space<vmem>>
      %dma_wait3A_81 = arith.constant 0 : i32
      %dma_wait3A_82 = arith.constant 0 : i32
      %dma_wait3A_83 = tpu.memref_slice %arg2[%arg0, %dma_wait3A_81, %dma_wait3A_82] : memref<2x100000x16xf32, #tpu.memory_space<hbm>> -> memref<1x100000x16xf32, #tpu.memory_space<hbm>>
      %dma_wait3A_84 = tpu.memref_squeeze %dma_wait3A_83 : memref<1x100000x16xf32, #tpu.memory_space<hbm>> -> memref<100000x16xf32, #tpu.memory_space<hbm>>
      %dma_wait3A_85 = arith.constant 0 : i32
      %dma_wait3A_86 = arith.constant 0 : i32
      %dma_wait3A_87 = tpu.memref_slice %dma_wait3A_84[%dma_wait3A_85, %dma_wait3A_86] : memref<100000x16xf32, #tpu.memory_space<hbm>> -> memref<100000x16xf32, #tpu.memory_space<hbm>>
      tpu.wait_indirect_dma semaphore(%arg16 : memref<!tpu.dma_semaphore, #tpu.memory_space<semaphore_mem>>) src(%dma_wait3A_87 : memref<100000x16xf32, #tpu.memory_space<hbm>>) dst(%arg11 : memref<625x16xf32, #tpu.memory_space<vmem>>)
      %dma_wait3A_88 = arith.constant 0 : i32
      %dma_wait3A_89 = arith.constant 0 : i32
      %dma_wait3A_90 = arith.constant 0 : i32
      %dma_wait3A_91 = tpu.memref_slice %arg3[%dma_wait3A_88, %dma_wait3A_89, %dma_wait3A_90] : memref<2560x1x625xi32, #tpu.memory_space<hbm>> -> memref<1x1x625xi32, #tpu.memory_space<hbm>>
      %dma_wait3A_92 = tpu.memref_squeeze %dma_wait3A_91 : memref<1x1x625xi32, #tpu.memory_space<hbm>> -> memref<1x625xi32, #tpu.memory_space<hbm>>
      %dma_wait3A_93 = arith.constant 0 : i32
      %dma_wait3A_94 = arith.constant 0 : i32
      %dma_wait3A_95 = tpu.memref_slice %arg3[%dma_wait3A_88, %dma_wait3A_93, %dma_wait3A_94] : memref<2560x1x625xi32, #tpu.memory_space<hbm>> -> memref<1x1x625xi32, #tpu.memory_space<hbm>>
      %dma_wait3A_96 = tpu.memref_squeeze %dma_wait3A_95 : memref<1x1x625xi32, #tpu.memory_space<hbm>> -> memref<1x625xi32, #tpu.memory_space<hbm>>
      tpu.wait_dma2 semaphore(%arg15 : memref<!tpu.dma_semaphore, #tpu.memory_space<semaphore_mem>>) src(%dma_wait3A_96 : memref<1x625xi32, #tpu.memory_space<hbm>>) dst(%arg8 : memref<1x625xi32, #tpu.memory_space<vmem>>)
      %dma_wait3A_97 = arith.constant 0 : i32
      %dma_wait3A_98 = arith.constant 0 : i32
      %dma_wait3A_99 = arith.constant 0 : i32
      %dma_wait3A_100 = tpu.memref_slice %arg4[%dma_wait3A_97, %dma_wait3A_98, %dma_wait3A_99] : memref<2560x1x625xi32, #tpu.memory_space<hbm>> -> memref<1x1x625xi32, #tpu.memory_space<hbm>>
      %dma_wait3A_101 = tpu.memref_squeeze %dma_wait3A_100 : memref<1x1x625xi32, #tpu.memory_space<hbm>> -> memref<1x625xi32, #tpu.memory_space<hbm>>
      %dma_wait3A_102 = arith.constant 0 : i32
      %dma_wait3A_103 = arith.constant 0 : i32
      %dma_wait3A_104 = tpu.memref_slice %arg4[%dma_wait3A_97, %dma_wait3A_102, %dma_wait3A_103] : memref<2560x1x625xi32, #tpu.memory_space<hbm>> -> memref<1x1x625xi32, #tpu.memory_space<hbm>>
      %dma_wait3A_105 = tpu.memref_squeeze %dma_wait3A_104 : memref<1x1x625xi32, #tpu.memory_space<hbm>> -> memref<1x625xi32, #tpu.memory_space<hbm>>
      tpu.wait_dma2 semaphore(%arg15 : memref<!tpu.dma_semaphore, #tpu.memory_space<semaphore_mem>>) src(%dma_wait3A_105 : memref<1x625xi32, #tpu.memory_space<hbm>>) dst(%arg10 : memref<1x625xi32, #tpu.memory_space<vmem>>)
      %dma_start3A_106 = arith.constant 0 : i32
      %dma_start3A_107 = arith.constant 0 : i32
      %dma_start3A_108 = tpu.memref_slice %arg8[%dma_start3A_106, %dma_start3A_107] : memref<1x625xi32, #tpu.memory_space<vmem>> -> memref<1x625xi32, #tpu.memory_space<vmem>>
      %dma_start3A_109 = tpu.memref_squeeze %dma_start3A_108 : memref<1x625xi32, #tpu.memory_space<vmem>> -> memref<625xi32, #tpu.memory_space<vmem>>
      %dma_start3A_110 = arith.constant 0 : i32
      %dma_start3A_111 = arith.constant 0 : i32
      %dma_start3A_112 = tpu.memref_slice %arg2[%arg0, %dma_start3A_110, %dma_start3A_111] : memref<2x100000x16xf32, #tpu.memory_space<hbm>> -> memref<1x100000x16xf32, #tpu.memory_space<hbm>>
      %dma_start3A_113 = tpu.memref_squeeze %dma_start3A_112 : memref<1x100000x16xf32, #tpu.memory_space<hbm>> -> memref<100000x16xf32, #tpu.memory_space<hbm>>
      %dma_start3A_114 = arith.constant 0 : i32
      %dma_start3A_115 = arith.constant 0 : i32
      %dma_start3A_116 = tpu.memref_slice %dma_start3A_113[%dma_start3A_114, %dma_start3A_115] : memref<100000x16xf32, #tpu.memory_space<hbm>> -> memref<100000x16xf32, #tpu.memory_space<hbm>>
      tpu.enqueue_indirect_dma source(%dma_start3A_116 : memref<100000x16xf32, #tpu.memory_space<hbm>>) target(%arg12 : memref<625x16xf32, #tpu.memory_space<vmem>>) offsets(%dma_start3A_109 : memref<625xi32, #tpu.memory_space<vmem>>) semaphore(%arg16 : memref<!tpu.dma_semaphore, #tpu.memory_space<semaphore_mem>>)
      %run_scoped3A = arith.constant 0 : i32
      "tpu.region"() ({
        %run_scoped3A_140 = tpu.sem_alloc : memref<!tpu.dma_semaphore, #tpu.memory_space<semaphore_mem>>
        %dma_start3A_141 = arith.constant 0 : i32
        %dma_start3A_142 = tpu.memref_slice %arg9[%run_scoped3A, %dma_start3A_141] : memref<1x625xi32, #tpu.memory_space<vmem>> -> memref<1x625xi32, #tpu.memory_space<vmem>>
        %dma_start3A_143 = tpu.memref_squeeze %dma_start3A_142 : memref<1x625xi32, #tpu.memory_space<vmem>> -> memref<625xi32, #tpu.memory_space<vmem>>
        %dma_start3A_144 = arith.constant 0 : i32
        %dma_start3A_145 = arith.constant 0 : i32
        %dma_start3A_146 = tpu.memref_slice %arg13[%dma_start3A_144, %dma_start3A_145] : memref<100096x16xf32, #tpu.memory_space<vmem_shared>> -> memref<100096x16xf32, #tpu.memory_space<vmem_shared>>
        tpu.enqueue_indirect_dma source(%arg11 : memref<625x16xf32, #tpu.memory_space<vmem>>) target(%dma_start3A_146 : memref<100096x16xf32, #tpu.memory_space<vmem_shared>>) offsets(%dma_start3A_143 : memref<625xi32, #tpu.memory_space<vmem>>) semaphore(%run_scoped3A_140 : memref<!tpu.dma_semaphore, #tpu.memory_space<semaphore_mem>>) {add = true}
        %dma_wait3A_147 = arith.constant 0 : i32
        %dma_wait3A_148 = tpu.memref_slice %arg9[%run_scoped3A, %dma_wait3A_147] : memref<1x625xi32, #tpu.memory_space<vmem>> -> memref<1x625xi32, #tpu.memory_space<vmem>>
        %dma_wait3A_149 = tpu.memref_squeeze %dma_wait3A_148 : memref<1x625xi32, #tpu.memory_space<vmem>> -> memref<625xi32, #tpu.memory_space<vmem>>
        %dma_wait3A_150 = arith.constant 0 : i32
        %dma_wait3A_151 = arith.constant 0 : i32
        %dma_wait3A_152 = tpu.memref_slice %arg13[%dma_wait3A_150, %dma_wait3A_151] : memref<100096x16xf32, #tpu.memory_space<vmem_shared>> -> memref<100096x16xf32, #tpu.memory_space<vmem_shared>>
        tpu.wait_indirect_dma semaphore(%run_scoped3A_140 : memref<!tpu.dma_semaphore, #tpu.memory_space<semaphore_mem>>) src(%arg11 : memref<625x16xf32, #tpu.memory_space<vmem>>) dst(%dma_wait3A_152 : memref<100096x16xf32, #tpu.memory_space<vmem_shared>>)
        tpu.yield
      }) : () -> ()
      %add3A_117 = arith.constant 1 : i32
      %add3A_118 = arith.addi %add3A_76, %add3A_117 : i32
      %lt3A = arith.constant 80 : i32
      %lt3A_119 = arith.cmpi slt, %add3A_118, %lt3A : i32
      %convert_element_type3A = arith.extui %lt3A_119 : i1 to i32
      %cond3A = arith.constant 0 : i32
      %cond3A_120 = arith.cmpi ne, %convert_element_type3A, %cond3A : i32
      scf.if %cond3A_120 {
        %add3A_140 = arith.constant 1 : i32
        %add3A_141 = arith.addi %add3A_76, %add3A_140 : i32
        %mul3A_142 = arith.constant 2 : i32
        %mul3A_143 = arith.muli %mul3A_142, %add3A_141 : i32
        %add3A_144 = arith.addi %mul3A_0, %mul3A_143 : i32
        %dma_start3A_145 = arith.constant 0 : i32
        %dma_start3A_146 = arith.constant 0 : i32
        %dma_start3A_147 = tpu.memref_slice %arg3[%add3A_144, %dma_start3A_145, %dma_start3A_146] : memref<2560x1x625xi32, #tpu.memory_space<hbm>> -> memref<1x1x625xi32, #tpu.memory_space<hbm>>
        %dma_start3A_148 = tpu.memref_squeeze %dma_start3A_147 : memref<1x1x625xi32, #tpu.memory_space<hbm>> -> memref<1x625xi32, #tpu.memory_space<hbm>>
        %dma_start3A_149 = arith.constant 0 : i32
        %dma_start3A_150 = arith.constant 0 : i32
        %dma_start3A_151 = tpu.memref_slice %arg3[%add3A_144, %dma_start3A_149, %dma_start3A_150] : memref<2560x1x625xi32, #tpu.memory_space<hbm>> -> memref<1x1x625xi32, #tpu.memory_space<hbm>>
        %dma_start3A_152 = tpu.memref_squeeze %dma_start3A_151 : memref<1x1x625xi32, #tpu.memory_space<hbm>> -> memref<1x625xi32, #tpu.memory_space<hbm>>
        tpu.enqueue_dma source(%dma_start3A_152 : memref<1x625xi32, #tpu.memory_space<hbm>>) target(%arg7 : memref<1x625xi32, #tpu.memory_space<vmem>>) target_semaphore(%arg14 : memref<!tpu.dma_semaphore, #tpu.memory_space<semaphore_mem>>)
        %dma_start3A_153 = arith.constant 0 : i32
        %dma_start3A_154 = arith.constant 0 : i32
        %dma_start3A_155 = tpu.memref_slice %arg4[%add3A_144, %dma_start3A_153, %dma_start3A_154] : memref<2560x1x625xi32, #tpu.memory_space<hbm>> -> memref<1x1x625xi32, #tpu.memory_space<hbm>>
        %dma_start3A_156 = tpu.memref_squeeze %dma_start3A_155 : memref<1x1x625xi32, #tpu.memory_space<hbm>> -> memref<1x625xi32, #tpu.memory_space<hbm>>
        %dma_start3A_157 = arith.constant 0 : i32
        %dma_start3A_158 = arith.constant 0 : i32
        %dma_start3A_159 = tpu.memref_slice %arg4[%add3A_144, %dma_start3A_157, %dma_start3A_158] : memref<2560x1x625xi32, #tpu.memory_space<hbm>> -> memref<1x1x625xi32, #tpu.memory_space<hbm>>
        %dma_start3A_160 = tpu.memref_squeeze %dma_start3A_159 : memref<1x1x625xi32, #tpu.memory_space<hbm>> -> memref<1x625xi32, #tpu.memory_space<hbm>>
        tpu.enqueue_dma source(%dma_start3A_160 : memref<1x625xi32, #tpu.memory_space<hbm>>) target(%arg9 : memref<1x625xi32, #tpu.memory_space<vmem>>) target_semaphore(%arg14 : memref<!tpu.dma_semaphore, #tpu.memory_space<semaphore_mem>>)
      } else {
      }
      %dma_wait3A_121 = arith.constant 0 : i32
      %dma_wait3A_122 = arith.constant 0 : i32
      %dma_wait3A_123 = tpu.memref_slice %arg8[%dma_wait3A_121, %dma_wait3A_122] : memref<1x625xi32, #tpu.memory_space<vmem>> -> memref<1x625xi32, #tpu.memory_space<vmem>>
      %dma_wait3A_124 = tpu.memref_squeeze %dma_wait3A_123 : memref<1x625xi32, #tpu.memory_space<vmem>> -> memref<625xi32, #tpu.memory_space<vmem>>
      %dma_wait3A_125 = arith.constant 0 : i32
      %dma_wait3A_126 = arith.constant 0 : i32
      %dma_wait3A_127 = tpu.memref_slice %arg2[%arg0, %dma_wait3A_125, %dma_wait3A_126] : memref<2x100000x16xf32, #tpu.memory_space<hbm>> -> memref<1x100000x16xf32, #tpu.memory_space<hbm>>
      %dma_wait3A_128 = tpu.memref_squeeze %dma_wait3A_127 : memref<1x100000x16xf32, #tpu.memory_space<hbm>> -> memref<100000x16xf32, #tpu.memory_space<hbm>>
      %dma_wait3A_129 = arith.constant 0 : i32
      %dma_wait3A_130 = arith.constant 0 : i32
      %dma_wait3A_131 = tpu.memref_slice %dma_wait3A_128[%dma_wait3A_129, %dma_wait3A_130] : memref<100000x16xf32, #tpu.memory_space<hbm>> -> memref<100000x16xf32, #tpu.memory_space<hbm>>
      tpu.wait_indirect_dma semaphore(%arg16 : memref<!tpu.dma_semaphore, #tpu.memory_space<semaphore_mem>>) src(%dma_wait3A_131 : memref<100000x16xf32, #tpu.memory_space<hbm>>) dst(%arg12 : memref<625x16xf32, #tpu.memory_space<vmem>>)
      %run_scoped3A_132 = arith.constant 0 : i32
      "tpu.region"() ({
        %run_scoped3A_140 = tpu.sem_alloc : memref<!tpu.dma_semaphore, #tpu.memory_space<semaphore_mem>>
        %dma_start3A_141 = arith.constant 0 : i32
        %dma_start3A_142 = tpu.memref_slice %arg10[%run_scoped3A_132, %dma_start3A_141] : memref<1x625xi32, #tpu.memory_space<vmem>> -> memref<1x625xi32, #tpu.memory_space<vmem>>
        %dma_start3A_143 = tpu.memref_squeeze %dma_start3A_142 : memref<1x625xi32, #tpu.memory_space<vmem>> -> memref<625xi32, #tpu.memory_space<vmem>>
        %dma_start3A_144 = arith.constant 0 : i32
        %dma_start3A_145 = arith.constant 0 : i32
        %dma_start3A_146 = tpu.memref_slice %arg13[%dma_start3A_144, %dma_start3A_145] : memref<100096x16xf32, #tpu.memory_space<vmem_shared>> -> memref<100096x16xf32, #tpu.memory_space<vmem_shared>>
        tpu.enqueue_indirect_dma source(%arg12 : memref<625x16xf32, #tpu.memory_space<vmem>>) target(%dma_start3A_146 : memref<100096x16xf32, #tpu.memory_space<vmem_shared>>) offsets(%dma_start3A_143 : memref<625xi32, #tpu.memory_space<vmem>>) semaphore(%run_scoped3A_140 : memref<!tpu.dma_semaphore, #tpu.memory_space<semaphore_mem>>) {add = true}
        %dma_wait3A_147 = arith.constant 0 : i32
        %dma_wait3A_148 = tpu.memref_slice %arg10[%run_scoped3A_132, %dma_wait3A_147] : memref<1x625xi32, #tpu.memory_space<vmem>> -> memref<1x625xi32, #tpu.memory_space<vmem>>
        %dma_wait3A_149 = tpu.memref_squeeze %dma_wait3A_148 : memref<1x625xi32, #tpu.memory_space<vmem>> -> memref<625xi32, #tpu.memory_space<vmem>>
        %dma_wait3A_150 = arith.constant 0 : i32
        %dma_wait3A_151 = arith.constant 0 : i32
        %dma_wait3A_152 = tpu.memref_slice %arg13[%dma_wait3A_150, %dma_wait3A_151] : memref<100096x16xf32, #tpu.memory_space<vmem_shared>> -> memref<100096x16xf32, #tpu.memory_space<vmem_shared>>
        tpu.wait_indirect_dma semaphore(%run_scoped3A_140 : memref<!tpu.dma_semaphore, #tpu.memory_space<semaphore_mem>>) src(%arg12 : memref<625x16xf32, #tpu.memory_space<vmem>>) dst(%dma_wait3A_152 : memref<100096x16xf32, #tpu.memory_space<vmem_shared>>)
        tpu.yield
      }) : () -> ()
      %add3A_133 = arith.constant 1 : i32
      %add3A_134 = arith.addi %add3A_76, %add3A_133 : i32
      %lt3A_135 = arith.constant 80 : i32
      %lt3A_136 = arith.cmpi slt, %add3A_134, %lt3A_135 : i32
      %convert_element_type3A_137 = arith.extui %lt3A_136 : i1 to i32
      %cond3A_138 = arith.constant 0 : i32
      %cond3A_139 = arith.cmpi ne, %convert_element_type3A_137, %cond3A_138 : i32
      scf.if %cond3A_139 {
        %add3A_140 = arith.constant 1 : i32
        %add3A_141 = arith.addi %add3A_76, %add3A_140 : i32
        %mul3A_142 = arith.constant 2 : i32
        %mul3A_143 = arith.muli %mul3A_142, %add3A_141 : i32
        %add3A_144 = arith.addi %mul3A_0, %mul3A_143 : i32
        %add3A_145 = arith.constant 1 : i32
        %add3A_146 = arith.addi %add3A_144, %add3A_145 : i32
        %dma_start3A_147 = arith.constant 0 : i32
        %dma_start3A_148 = arith.constant 0 : i32
        %dma_start3A_149 = tpu.memref_slice %arg3[%add3A_146, %dma_start3A_147, %dma_start3A_148] : memref<2560x1x625xi32, #tpu.memory_space<hbm>> -> memref<1x1x625xi32, #tpu.memory_space<hbm>>
        %dma_start3A_150 = tpu.memref_squeeze %dma_start3A_149 : memref<1x1x625xi32, #tpu.memory_space<hbm>> -> memref<1x625xi32, #tpu.memory_space<hbm>>
        %dma_start3A_151 = arith.constant 0 : i32
        %dma_start3A_152 = arith.constant 0 : i32
        %dma_start3A_153 = tpu.memref_slice %arg3[%add3A_146, %dma_start3A_151, %dma_start3A_152] : memref<2560x1x625xi32, #tpu.memory_space<hbm>> -> memref<1x1x625xi32, #tpu.memory_space<hbm>>
        %dma_start3A_154 = tpu.memref_squeeze %dma_start3A_153 : memref<1x1x625xi32, #tpu.memory_space<hbm>> -> memref<1x625xi32, #tpu.memory_space<hbm>>
        tpu.enqueue_dma source(%dma_start3A_154 : memref<1x625xi32, #tpu.memory_space<hbm>>) target(%arg8 : memref<1x625xi32, #tpu.memory_space<vmem>>) target_semaphore(%arg15 : memref<!tpu.dma_semaphore, #tpu.memory_space<semaphore_mem>>)
        %dma_start3A_155 = arith.constant 0 : i32
        %dma_start3A_156 = arith.constant 0 : i32
        %dma_start3A_157 = tpu.memref_slice %arg4[%add3A_146, %dma_start3A_155, %dma_start3A_156] : memref<2560x1x625xi32, #tpu.memory_space<hbm>> -> memref<1x1x625xi32, #tpu.memory_space<hbm>>
        %dma_start3A_158 = tpu.memref_squeeze %dma_start3A_157 : memref<1x1x625xi32, #tpu.memory_space<hbm>> -> memref<1x625xi32, #tpu.memory_space<hbm>>
        %dma_start3A_159 = arith.constant 0 : i32
        %dma_start3A_160 = arith.constant 0 : i32
        %dma_start3A_161 = tpu.memref_slice %arg4[%add3A_146, %dma_start3A_159, %dma_start3A_160] : memref<2560x1x625xi32, #tpu.memory_space<hbm>> -> memref<1x1x625xi32, #tpu.memory_space<hbm>>
        %dma_start3A_162 = tpu.memref_squeeze %dma_start3A_161 : memref<1x1x625xi32, #tpu.memory_space<hbm>> -> memref<1x625xi32, #tpu.memory_space<hbm>>
        tpu.enqueue_dma source(%dma_start3A_162 : memref<1x625xi32, #tpu.memory_space<hbm>>) target(%arg10 : memref<1x625xi32, #tpu.memory_space<vmem>>) target_semaphore(%arg15 : memref<!tpu.dma_semaphore, #tpu.memory_space<semaphore_mem>>)
        %dma_wait3A_163 = arith.constant 0 : i32
        %dma_wait3A_164 = arith.constant 0 : i32
        %dma_wait3A_165 = arith.constant 0 : i32
        %dma_wait3A_166 = tpu.memref_slice %arg3[%dma_wait3A_163, %dma_wait3A_164, %dma_wait3A_165] : memref<2560x1x625xi32, #tpu.memory_space<hbm>> -> memref<1x1x625xi32, #tpu.memory_space<hbm>>
        %dma_wait3A_167 = tpu.memref_squeeze %dma_wait3A_166 : memref<1x1x625xi32, #tpu.memory_space<hbm>> -> memref<1x625xi32, #tpu.memory_space<hbm>>
        %dma_wait3A_168 = arith.constant 0 : i32
        %dma_wait3A_169 = arith.constant 0 : i32
        %dma_wait3A_170 = tpu.memref_slice %arg3[%dma_wait3A_163, %dma_wait3A_168, %dma_wait3A_169] : memref<2560x1x625xi32, #tpu.memory_space<hbm>> -> memref<1x1x625xi32, #tpu.memory_space<hbm>>
        %dma_wait3A_171 = tpu.memref_squeeze %dma_wait3A_170 : memref<1x1x625xi32, #tpu.memory_space<hbm>> -> memref<1x625xi32, #tpu.memory_space<hbm>>
        tpu.wait_dma2 semaphore(%arg14 : memref<!tpu.dma_semaphore, #tpu.memory_space<semaphore_mem>>) src(%dma_wait3A_171 : memref<1x625xi32, #tpu.memory_space<hbm>>) dst(%arg7 : memref<1x625xi32, #tpu.memory_space<vmem>>)
        %dma_wait3A_172 = arith.constant 0 : i32
        %dma_wait3A_173 = arith.constant 0 : i32
        %dma_wait3A_174 = arith.constant 0 : i32
        %dma_wait3A_175 = tpu.memref_slice %arg4[%dma_wait3A_172, %dma_wait3A_173, %dma_wait3A_174] : memref<2560x1x625xi32, #tpu.memory_space<hbm>> -> memref<1x1x625xi32, #tpu.memory_space<hbm>>
        %dma_wait3A_176 = tpu.memref_squeeze %dma_wait3A_175 : memref<1x1x625xi32, #tpu.memory_space<hbm>> -> memref<1x625xi32, #tpu.memory_space<hbm>>
        %dma_wait3A_177 = arith.constant 0 : i32
        %dma_wait3A_178 = arith.constant 0 : i32
        %dma_wait3A_179 = tpu.memref_slice %arg4[%dma_wait3A_172, %dma_wait3A_177, %dma_wait3A_178] : memref<2560x1x625xi32, #tpu.memory_space<hbm>> -> memref<1x1x625xi32, #tpu.memory_space<hbm>>
        %dma_wait3A_180 = tpu.memref_squeeze %dma_wait3A_179 : memref<1x1x625xi32, #tpu.memory_space<hbm>> -> memref<1x625xi32, #tpu.memory_space<hbm>>
        tpu.wait_dma2 semaphore(%arg14 : memref<!tpu.dma_semaphore, #tpu.memory_space<semaphore_mem>>) src(%dma_wait3A_180 : memref<1x625xi32, #tpu.memory_space<hbm>>) dst(%arg9 : memref<1x625xi32, #tpu.memory_space<vmem>>)
        %dma_start3A_181 = arith.constant 0 : i32
        %dma_start3A_182 = arith.constant 0 : i32
        %dma_start3A_183 = tpu.memref_slice %arg7[%dma_start3A_181, %dma_start3A_182] : memref<1x625xi32, #tpu.memory_space<vmem>> -> memref<1x625xi32, #tpu.memory_space<vmem>>
        %dma_start3A_184 = tpu.memref_squeeze %dma_start3A_183 : memref<1x625xi32, #tpu.memory_space<vmem>> -> memref<625xi32, #tpu.memory_space<vmem>>
        %dma_start3A_185 = arith.constant 0 : i32
        %dma_start3A_186 = arith.constant 0 : i32
        %dma_start3A_187 = tpu.memref_slice %arg2[%arg0, %dma_start3A_185, %dma_start3A_186] : memref<2x100000x16xf32, #tpu.memory_space<hbm>> -> memref<1x100000x16xf32, #tpu.memory_space<hbm>>
        %dma_start3A_188 = tpu.memref_squeeze %dma_start3A_187 : memref<1x100000x16xf32, #tpu.memory_space<hbm>> -> memref<100000x16xf32, #tpu.memory_space<hbm>>
        %dma_start3A_189 = arith.constant 0 : i32
        %dma_start3A_190 = arith.constant 0 : i32
        %dma_start3A_191 = tpu.memref_slice %dma_start3A_188[%dma_start3A_189, %dma_start3A_190] : memref<100000x16xf32, #tpu.memory_space<hbm>> -> memref<100000x16xf32, #tpu.memory_space<hbm>>
        tpu.enqueue_indirect_dma source(%dma_start3A_191 : memref<100000x16xf32, #tpu.memory_space<hbm>>) target(%arg11 : memref<625x16xf32, #tpu.memory_space<vmem>>) offsets(%dma_start3A_184 : memref<625xi32, #tpu.memory_space<vmem>>) semaphore(%arg16 : memref<!tpu.dma_semaphore, #tpu.memory_space<semaphore_mem>>)
      } else {
      }
    }
    %scan3A_66 = arith.constant 80 : i32
    %barrier3A_67 = arith.constant 0 : index
    tpu.barrier barrier_id(%barrier3A_67)
    %mul3A_68 = arith.constant 6256 : i32
    %mul3A_69 = arith.muli %arg1, %mul3A_68 : i32
    %mul3A_70 = arith.constant 6256 : i32
    %mul3A_71 = arith.muli %arg1, %mul3A_70 : i32
    "tpu.region"() ({
      %run_scoped3A = tpu.sem_alloc : memref<!tpu.dma_semaphore, #tpu.memory_space<semaphore_mem>>
      %dma_start3A_72 = arith.constant 0 : i32
      %dma_start3A_73 = tpu.memref_slice %arg6[%arg0, %mul3A_71, %dma_start3A_72] : memref<2x100096x16xf32, #tpu.memory_space<hbm>> -> memref<1x6256x16xf32, #tpu.memory_space<hbm>>
      %dma_start3A_74 = tpu.memref_squeeze %dma_start3A_73 : memref<1x6256x16xf32, #tpu.memory_space<hbm>> -> memref<6256x16xf32, #tpu.memory_space<hbm>>
      %dma_start3A_75 = arith.constant 0 : i32
      %dma_start3A_76 = tpu.memref_slice %arg13[%mul3A_69, %dma_start3A_75] : memref<100096x16xf32, #tpu.memory_space<vmem_shared>> -> memref<6256x16xf32, #tpu.memory_space<vmem_shared>>
      tpu.enqueue_dma source(%dma_start3A_76 : memref<6256x16xf32, #tpu.memory_space<vmem_shared>>) target(%dma_start3A_74 : memref<6256x16xf32, #tpu.memory_space<hbm>>) target_semaphore(%run_scoped3A : memref<!tpu.dma_semaphore, #tpu.memory_space<semaphore_mem>>)
      %dma_wait3A_77 = arith.constant 0 : i32
      %dma_wait3A_78 = tpu.memref_slice %arg6[%arg0, %mul3A_71, %dma_wait3A_77] : memref<2x100096x16xf32, #tpu.memory_space<hbm>> -> memref<1x6256x16xf32, #tpu.memory_space<hbm>>
      %dma_wait3A_79 = tpu.memref_squeeze %dma_wait3A_78 : memref<1x6256x16xf32, #tpu.memory_space<hbm>> -> memref<6256x16xf32, #tpu.memory_space<hbm>>
      %dma_wait3A_80 = arith.constant 0 : i32
      %dma_wait3A_81 = tpu.memref_slice %arg13[%mul3A_69, %dma_wait3A_80] : memref<100096x16xf32, #tpu.memory_space<vmem_shared>> -> memref<6256x16xf32, #tpu.memory_space<vmem_shared>>
      tpu.wait_dma2 semaphore(%run_scoped3A : memref<!tpu.dma_semaphore, #tpu.memory_space<semaphore_mem>>) src(%dma_wait3A_81 : memref<6256x16xf32, #tpu.memory_space<vmem_shared>>) dst(%dma_wait3A_79 : memref<6256x16xf32, #tpu.memory_space<hbm>>)
      tpu.yield
    }) : () -> ()
    return
  }
}

#map = affine_map<(d0, d1) -> (0, 0)>
#map1 = affine_map<(d0, d1) -> (0, 0, 0)>
module attributes {stable_mosaic.version = 14 : i64} {
  func.func @_seg_kernel(%arg0: i32, %arg1: i32, %arg2: memref<100000x16xf32, #tpu.memory_space<hbm>>, %arg3: memref<2560x1x625xi32, #tpu.memory_space<hbm>>, %arg4: memref<2560x1x625xi32, #tpu.memory_space<hbm>>, %arg5: memref<6256x16xf32, #tpu.memory_space<hbm>>, %arg6: memref<2x100096x16xf32, #tpu.memory_space<hbm>>, %arg7: memref<1x625xi32, #tpu.memory_space<vmem>>, %arg8: memref<1x625xi32, #tpu.memory_space<vmem>>, %arg9: memref<1x625xi32, #tpu.memory_space<vmem>>, %arg10: memref<1x625xi32, #tpu.memory_space<vmem>>, %arg11: memref<625x16xf32, #tpu.memory_space<vmem>>, %arg12: memref<625x16xf32, #tpu.memory_space<vmem>>, %arg13: memref<100096x16xf32, #tpu.memory_space<vmem_shared>>, %arg14: memref<!tpu.dma_semaphore, #tpu.memory_space<semaphore_mem>>, %arg15: memref<!tpu.dma_semaphore, #tpu.memory_space<semaphore_mem>>, %arg16: memref<!tpu.dma_semaphore, #tpu.memory_space<semaphore_mem>>) attributes {dimension_semantics = [#tpu.dimension_semantics<core_parallel>, #tpu.dimension_semantics<subcore_parallel>], iteration_bounds = array<i64: 2, 16>, scalar_prefetch = 0 : i64, scratch_operands = 10 : i64, tpu.core_type = #tpu.core_type<sc_vector_subcore>, window_params = [{transform_indices = #map}, {transform_indices = #map1}, {transform_indices = #map1}, {transform_indices = #map}, {transform_indices = #map1}]} {
    %mul3A = arith.constant 1280 : i32
    %mul3A_0 = arith.muli %arg0, %mul3A : i32
    %mul3A_1 = arith.constant 80 : i32
    %mul3A_2 = arith.muli %arg1, %mul3A_1 : i32
    %add3A = arith.addi %mul3A_0, %mul3A_2 : i32
    %dma_start3A = arith.constant 0 : i32
    %dma_start3A_3 = arith.constant 0 : i32
    %dma_start3A_4 = tpu.memref_slice %arg3[%add3A, %dma_start3A, %dma_start3A_3] : memref<2560x1x625xi32, #tpu.memory_space<hbm>> -> memref<1x1x625xi32, #tpu.memory_space<hbm>>
    %dma_start3A_5 = tpu.memref_squeeze %dma_start3A_4 : memref<1x1x625xi32, #tpu.memory_space<hbm>> -> memref<1x625xi32, #tpu.memory_space<hbm>>
    %dma_start3A_6 = arith.constant 0 : i32
    %dma_start3A_7 = arith.constant 0 : i32
    %dma_start3A_8 = tpu.memref_slice %arg3[%add3A, %dma_start3A_6, %dma_start3A_7] : memref<2560x1x625xi32, #tpu.memory_space<hbm>> -> memref<1x1x625xi32, #tpu.memory_space<hbm>>
    %dma_start3A_9 = tpu.memref_squeeze %dma_start3A_8 : memref<1x1x625xi32, #tpu.memory_space<hbm>> -> memref<1x625xi32, #tpu.memory_space<hbm>>
    tpu.enqueue_dma source(%dma_start3A_9 : memref<1x625xi32, #tpu.memory_space<hbm>>) target(%arg7 : memref<1x625xi32, #tpu.memory_space<vmem>>) target_semaphore(%arg14 : memref<!tpu.dma_semaphore, #tpu.memory_space<semaphore_mem>>)
    %dma_start3A_10 = arith.constant 0 : i32
    %dma_start3A_11 = arith.constant 0 : i32
    %dma_start3A_12 = tpu.memref_slice %arg4[%add3A, %dma_start3A_10, %dma_start3A_11] : memref<2560x1x625xi32, #tpu.memory_space<hbm>> -> memref<1x1x625xi32, #tpu.memory_space<hbm>>
    %dma_start3A_13 = tpu.memref_squeeze %dma_start3A_12 : memref<1x1x625xi32, #tpu.memory_space<hbm>> -> memref<1x625xi32, #tpu.memory_space<hbm>>
    %dma_start3A_14 = arith.constant 0 : i32
    %dma_start3A_15 = arith.constant 0 : i32
    %dma_start3A_16 = tpu.memref_slice %arg4[%add3A, %dma_start3A_14, %dma_start3A_15] : memref<2560x1x625xi32, #tpu.memory_space<hbm>> -> memref<1x1x625xi32, #tpu.memory_space<hbm>>
    %dma_start3A_17 = tpu.memref_squeeze %dma_start3A_16 : memref<1x1x625xi32, #tpu.memory_space<hbm>> -> memref<1x625xi32, #tpu.memory_space<hbm>>
    tpu.enqueue_dma source(%dma_start3A_17 : memref<1x625xi32, #tpu.memory_space<hbm>>) target(%arg9 : memref<1x625xi32, #tpu.memory_space<vmem>>) target_semaphore(%arg14 : memref<!tpu.dma_semaphore, #tpu.memory_space<semaphore_mem>>)
    %add3A_18 = arith.constant 1 : i32
    %add3A_19 = arith.addi %add3A, %add3A_18 : i32
    %dma_start3A_20 = arith.constant 0 : i32
    %dma_start3A_21 = arith.constant 0 : i32
    %dma_start3A_22 = tpu.memref_slice %arg3[%add3A_19, %dma_start3A_20, %dma_start3A_21] : memref<2560x1x625xi32, #tpu.memory_space<hbm>> -> memref<1x1x625xi32, #tpu.memory_space<hbm>>
    %dma_start3A_23 = tpu.memref_squeeze %dma_start3A_22 : memref<1x1x625xi32, #tpu.memory_space<hbm>> -> memref<1x625xi32, #tpu.memory_space<hbm>>
    %dma_start3A_24 = arith.constant 0 : i32
    %dma_start3A_25 = arith.constant 0 : i32
    %dma_start3A_26 = tpu.memref_slice %arg3[%add3A_19, %dma_start3A_24, %dma_start3A_25] : memref<2560x1x625xi32, #tpu.memory_space<hbm>> -> memref<1x1x625xi32, #tpu.memory_space<hbm>>
    %dma_start3A_27 = tpu.memref_squeeze %dma_start3A_26 : memref<1x1x625xi32, #tpu.memory_space<hbm>> -> memref<1x625xi32, #tpu.memory_space<hbm>>
    tpu.enqueue_dma source(%dma_start3A_27 : memref<1x625xi32, #tpu.memory_space<hbm>>) target(%arg8 : memref<1x625xi32, #tpu.memory_space<vmem>>) target_semaphore(%arg15 : memref<!tpu.dma_semaphore, #tpu.memory_space<semaphore_mem>>)
    %dma_start3A_28 = arith.constant 0 : i32
    %dma_start3A_29 = arith.constant 0 : i32
    %dma_start3A_30 = tpu.memref_slice %arg4[%add3A_19, %dma_start3A_28, %dma_start3A_29] : memref<2560x1x625xi32, #tpu.memory_space<hbm>> -> memref<1x1x625xi32, #tpu.memory_space<hbm>>
    %dma_start3A_31 = tpu.memref_squeeze %dma_start3A_30 : memref<1x1x625xi32, #tpu.memory_space<hbm>> -> memref<1x625xi32, #tpu.memory_space<hbm>>
    %dma_start3A_32 = arith.constant 0 : i32
    %dma_start3A_33 = arith.constant 0 : i32
    %dma_start3A_34 = tpu.memref_slice %arg4[%add3A_19, %dma_start3A_32, %dma_start3A_33] : memref<2560x1x625xi32, #tpu.memory_space<hbm>> -> memref<1x1x625xi32, #tpu.memory_space<hbm>>
    %dma_start3A_35 = tpu.memref_squeeze %dma_start3A_34 : memref<1x1x625xi32, #tpu.memory_space<hbm>> -> memref<1x625xi32, #tpu.memory_space<hbm>>
    tpu.enqueue_dma source(%dma_start3A_35 : memref<1x625xi32, #tpu.memory_space<hbm>>) target(%arg10 : memref<1x625xi32, #tpu.memory_space<vmem>>) target_semaphore(%arg15 : memref<!tpu.dma_semaphore, #tpu.memory_space<semaphore_mem>>)
    %mul3A_36 = arith.constant 6256 : i32
    %mul3A_37 = arith.muli %arg1, %mul3A_36 : i32
    "tpu.region"() ({
      %run_scoped3A = tpu.sem_alloc : memref<!tpu.dma_semaphore, #tpu.memory_space<semaphore_mem>>
      %dma_start3A_71 = arith.constant 0 : i32
      %dma_start3A_72 = tpu.memref_slice %arg13[%mul3A_37, %dma_start3A_71] : memref<100096x16xf32, #tpu.memory_space<vmem_shared>> -> memref<6256x16xf32, #tpu.memory_space<vmem_shared>>
      tpu.enqueue_dma source(%arg5 : memref<6256x16xf32, #tpu.memory_space<hbm>>) target(%dma_start3A_72 : memref<6256x16xf32, #tpu.memory_space<vmem_shared>>) target_semaphore(%run_scoped3A : memref<!tpu.dma_semaphore, #tpu.memory_space<semaphore_mem>>)
      %dma_wait3A_73 = arith.constant 0 : i32
      %dma_wait3A_74 = tpu.memref_slice %arg13[%mul3A_37, %dma_wait3A_73] : memref<100096x16xf32, #tpu.memory_space<vmem_shared>> -> memref<6256x16xf32, #tpu.memory_space<vmem_shared>>
      tpu.wait_dma2 semaphore(%run_scoped3A : memref<!tpu.dma_semaphore, #tpu.memory_space<semaphore_mem>>) src(%arg5 : memref<6256x16xf32, #tpu.memory_space<hbm>>) dst(%dma_wait3A_74 : memref<6256x16xf32, #tpu.memory_space<vmem_shared>>)
      tpu.yield
    }) : () -> ()
    %barrier3A = arith.constant 0 : index
    tpu.barrier barrier_id(%barrier3A)
    %dma_wait3A = arith.constant 0 : i32
    %dma_wait3A_38 = arith.constant 0 : i32
    %dma_wait3A_39 = arith.constant 0 : i32
    %dma_wait3A_40 = tpu.memref_slice %arg3[%dma_wait3A, %dma_wait3A_38, %dma_wait3A_39] : memref<2560x1x625xi32, #tpu.memory_space<hbm>> -> memref<1x1x625xi32, #tpu.memory_space<hbm>>
    %dma_wait3A_41 = tpu.memref_squeeze %dma_wait3A_40 : memref<1x1x625xi32, #tpu.memory_space<hbm>> -> memref<1x625xi32, #tpu.memory_space<hbm>>
    %dma_wait3A_42 = arith.constant 0 : i32
    %dma_wait3A_43 = arith.constant 0 : i32
    %dma_wait3A_44 = tpu.memref_slice %arg3[%dma_wait3A, %dma_wait3A_42, %dma_wait3A_43] : memref<2560x1x625xi32, #tpu.memory_space<hbm>> -> memref<1x1x625xi32, #tpu.memory_space<hbm>>
    %dma_wait3A_45 = tpu.memref_squeeze %dma_wait3A_44 : memref<1x1x625xi32, #tpu.memory_space<hbm>> -> memref<1x625xi32, #tpu.memory_space<hbm>>
    tpu.wait_dma2 semaphore(%arg14 : memref<!tpu.dma_semaphore, #tpu.memory_space<semaphore_mem>>) src(%dma_wait3A_45 : memref<1x625xi32, #tpu.memory_space<hbm>>) dst(%arg7 : memref<1x625xi32, #tpu.memory_space<vmem>>)
    %dma_wait3A_46 = arith.constant 0 : i32
    %dma_wait3A_47 = arith.constant 0 : i32
    %dma_wait3A_48 = arith.constant 0 : i32
    %dma_wait3A_49 = tpu.memref_slice %arg4[%dma_wait3A_46, %dma_wait3A_47, %dma_wait3A_48] : memref<2560x1x625xi32, #tpu.memory_space<hbm>> -> memref<1x1x625xi32, #tpu.memory_space<hbm>>
    %dma_wait3A_50 = tpu.memref_squeeze %dma_wait3A_49 : memref<1x1x625xi32, #tpu.memory_space<hbm>> -> memref<1x625xi32, #tpu.memory_space<hbm>>
    %dma_wait3A_51 = arith.constant 0 : i32
    %dma_wait3A_52 = arith.constant 0 : i32
    %dma_wait3A_53 = tpu.memref_slice %arg4[%dma_wait3A_46, %dma_wait3A_51, %dma_wait3A_52] : memref<2560x1x625xi32, #tpu.memory_space<hbm>> -> memref<1x1x625xi32, #tpu.memory_space<hbm>>
    %dma_wait3A_54 = tpu.memref_squeeze %dma_wait3A_53 : memref<1x1x625xi32, #tpu.memory_space<hbm>> -> memref<1x625xi32, #tpu.memory_space<hbm>>
    tpu.wait_dma2 semaphore(%arg14 : memref<!tpu.dma_semaphore, #tpu.memory_space<semaphore_mem>>) src(%dma_wait3A_54 : memref<1x625xi32, #tpu.memory_space<hbm>>) dst(%arg9 : memref<1x625xi32, #tpu.memory_space<vmem>>)
    %dma_start3A_55 = arith.constant 0 : i32
    %dma_start3A_56 = arith.constant 0 : i32
    %dma_start3A_57 = tpu.memref_slice %arg7[%dma_start3A_55, %dma_start3A_56] : memref<1x625xi32, #tpu.memory_space<vmem>> -> memref<1x625xi32, #tpu.memory_space<vmem>>
    %dma_start3A_58 = tpu.memref_squeeze %dma_start3A_57 : memref<1x625xi32, #tpu.memory_space<vmem>> -> memref<625xi32, #tpu.memory_space<vmem>>
    %dma_start3A_59 = arith.constant 0 : i32
    %dma_start3A_60 = arith.constant 0 : i32
    %dma_start3A_61 = tpu.memref_slice %arg2[%dma_start3A_59, %dma_start3A_60] : memref<100000x16xf32, #tpu.memory_space<hbm>> -> memref<100000x16xf32, #tpu.memory_space<hbm>>
    tpu.enqueue_indirect_dma source(%dma_start3A_61 : memref<100000x16xf32, #tpu.memory_space<hbm>>) target(%arg11 : memref<625x16xf32, #tpu.memory_space<vmem>>) offsets(%dma_start3A_58 : memref<625xi32, #tpu.memory_space<vmem>>) semaphore(%arg16 : memref<!tpu.dma_semaphore, #tpu.memory_space<semaphore_mem>>)
    %scan3A = arith.constant 0 : i32
    %scan3A_62 = arith.constant 40 : i32
    %scan3A_63 = arith.addi %scan3A, %scan3A_62 : i32
    %scan3A_64 = arith.constant 1 : i32
    scf.for %scan3A_71 = %scan3A to %scan3A_63 step %scan3A_64  : i32 {
      %mul3A_72 = arith.constant 1 : i32
      %mul3A_73 = arith.muli %scan3A_71, %mul3A_72 : i32
      %add3A_74 = arith.constant 0 : i32
      %add3A_75 = arith.addi %add3A_74, %mul3A_73 : i32
      %dma_wait3A_76 = arith.constant 0 : i32
      %dma_wait3A_77 = arith.constant 0 : i32
      %dma_wait3A_78 = tpu.memref_slice %arg7[%dma_wait3A_76, %dma_wait3A_77] : memref<1x625xi32, #tpu.memory_space<vmem>> -> memref<1x625xi32, #tpu.memory_space<vmem>>
      %dma_wait3A_79 = tpu.memref_squeeze %dma_wait3A_78 : memref<1x625xi32, #tpu.memory_space<vmem>> -> memref<625xi32, #tpu.memory_space<vmem>>
      %dma_wait3A_80 = arith.constant 0 : i32
      %dma_wait3A_81 = arith.constant 0 : i32
      %dma_wait3A_82 = tpu.memref_slice %arg2[%dma_wait3A_80, %dma_wait3A_81] : memref<100000x16xf32, #tpu.memory_space<hbm>> -> memref<100000x16xf32, #tpu.memory_space<hbm>>
      tpu.wait_indirect_dma semaphore(%arg16 : memref<!tpu.dma_semaphore, #tpu.memory_space<semaphore_mem>>) src(%dma_wait3A_82 : memref<100000x16xf32, #tpu.memory_space<hbm>>) dst(%arg11 : memref<625x16xf32, #tpu.memory_space<vmem>>)
      %dma_wait3A_83 = arith.constant 0 : i32
      %dma_wait3A_84 = arith.constant 0 : i32
      %dma_wait3A_85 = arith.constant 0 : i32
      %dma_wait3A_86 = tpu.memref_slice %arg3[%dma_wait3A_83, %dma_wait3A_84, %dma_wait3A_85] : memref<2560x1x625xi32, #tpu.memory_space<hbm>> -> memref<1x1x625xi32, #tpu.memory_space<hbm>>
      %dma_wait3A_87 = tpu.memref_squeeze %dma_wait3A_86 : memref<1x1x625xi32, #tpu.memory_space<hbm>> -> memref<1x625xi32, #tpu.memory_space<hbm>>
      %dma_wait3A_88 = arith.constant 0 : i32
      %dma_wait3A_89 = arith.constant 0 : i32
      %dma_wait3A_90 = tpu.memref_slice %arg3[%dma_wait3A_83, %dma_wait3A_88, %dma_wait3A_89] : memref<2560x1x625xi32, #tpu.memory_space<hbm>> -> memref<1x1x625xi32, #tpu.memory_space<hbm>>
      %dma_wait3A_91 = tpu.memref_squeeze %dma_wait3A_90 : memref<1x1x625xi32, #tpu.memory_space<hbm>> -> memref<1x625xi32, #tpu.memory_space<hbm>>
      tpu.wait_dma2 semaphore(%arg15 : memref<!tpu.dma_semaphore, #tpu.memory_space<semaphore_mem>>) src(%dma_wait3A_91 : memref<1x625xi32, #tpu.memory_space<hbm>>) dst(%arg8 : memref<1x625xi32, #tpu.memory_space<vmem>>)
      %dma_wait3A_92 = arith.constant 0 : i32
      %dma_wait3A_93 = arith.constant 0 : i32
      %dma_wait3A_94 = arith.constant 0 : i32
      %dma_wait3A_95 = tpu.memref_slice %arg4[%dma_wait3A_92, %dma_wait3A_93, %dma_wait3A_94] : memref<2560x1x625xi32, #tpu.memory_space<hbm>> -> memref<1x1x625xi32, #tpu.memory_space<hbm>>
      %dma_wait3A_96 = tpu.memref_squeeze %dma_wait3A_95 : memref<1x1x625xi32, #tpu.memory_space<hbm>> -> memref<1x625xi32, #tpu.memory_space<hbm>>
      %dma_wait3A_97 = arith.constant 0 : i32
      %dma_wait3A_98 = arith.constant 0 : i32
      %dma_wait3A_99 = tpu.memref_slice %arg4[%dma_wait3A_92, %dma_wait3A_97, %dma_wait3A_98] : memref<2560x1x625xi32, #tpu.memory_space<hbm>> -> memref<1x1x625xi32, #tpu.memory_space<hbm>>
      %dma_wait3A_100 = tpu.memref_squeeze %dma_wait3A_99 : memref<1x1x625xi32, #tpu.memory_space<hbm>> -> memref<1x625xi32, #tpu.memory_space<hbm>>
      tpu.wait_dma2 semaphore(%arg15 : memref<!tpu.dma_semaphore, #tpu.memory_space<semaphore_mem>>) src(%dma_wait3A_100 : memref<1x625xi32, #tpu.memory_space<hbm>>) dst(%arg10 : memref<1x625xi32, #tpu.memory_space<vmem>>)
      %dma_start3A_101 = arith.constant 0 : i32
      %dma_start3A_102 = arith.constant 0 : i32
      %dma_start3A_103 = tpu.memref_slice %arg8[%dma_start3A_101, %dma_start3A_102] : memref<1x625xi32, #tpu.memory_space<vmem>> -> memref<1x625xi32, #tpu.memory_space<vmem>>
      %dma_start3A_104 = tpu.memref_squeeze %dma_start3A_103 : memref<1x625xi32, #tpu.memory_space<vmem>> -> memref<625xi32, #tpu.memory_space<vmem>>
      %dma_start3A_105 = arith.constant 0 : i32
      %dma_start3A_106 = arith.constant 0 : i32
      %dma_start3A_107 = tpu.memref_slice %arg2[%dma_start3A_105, %dma_start3A_106] : memref<100000x16xf32, #tpu.memory_space<hbm>> -> memref<100000x16xf32, #tpu.memory_space<hbm>>
      tpu.enqueue_indirect_dma source(%dma_start3A_107 : memref<100000x16xf32, #tpu.memory_space<hbm>>) target(%arg12 : memref<625x16xf32, #tpu.memory_space<vmem>>) offsets(%dma_start3A_104 : memref<625xi32, #tpu.memory_space<vmem>>) semaphore(%arg16 : memref<!tpu.dma_semaphore, #tpu.memory_space<semaphore_mem>>)
      %run_scoped3A = arith.constant 0 : i32
      "tpu.region"() ({
        %run_scoped3A_127 = tpu.sem_alloc : memref<!tpu.dma_semaphore, #tpu.memory_space<semaphore_mem>>
        %dma_start3A_128 = arith.constant 0 : i32
        %dma_start3A_129 = tpu.memref_slice %arg9[%run_scoped3A, %dma_start3A_128] : memref<1x625xi32, #tpu.memory_space<vmem>> -> memref<1x625xi32, #tpu.memory_space<vmem>>
        %dma_start3A_130 = tpu.memref_squeeze %dma_start3A_129 : memref<1x625xi32, #tpu.memory_space<vmem>> -> memref<625xi32, #tpu.memory_space<vmem>>
        %dma_start3A_131 = arith.constant 0 : i32
        %dma_start3A_132 = arith.constant 0 : i32
        %dma_start3A_133 = tpu.memref_slice %arg13[%dma_start3A_131, %dma_start3A_132] : memref<100096x16xf32, #tpu.memory_space<vmem_shared>> -> memref<100096x16xf32, #tpu.memory_space<vmem_shared>>
        tpu.enqueue_indirect_dma source(%arg11 : memref<625x16xf32, #tpu.memory_space<vmem>>) target(%dma_start3A_133 : memref<100096x16xf32, #tpu.memory_space<vmem_shared>>) offsets(%dma_start3A_130 : memref<625xi32, #tpu.memory_space<vmem>>) semaphore(%run_scoped3A_127 : memref<!tpu.dma_semaphore, #tpu.memory_space<semaphore_mem>>) {add = true}
        %dma_wait3A_134 = arith.constant 0 : i32
        %dma_wait3A_135 = tpu.memref_slice %arg9[%run_scoped3A, %dma_wait3A_134] : memref<1x625xi32, #tpu.memory_space<vmem>> -> memref<1x625xi32, #tpu.memory_space<vmem>>
        %dma_wait3A_136 = tpu.memref_squeeze %dma_wait3A_135 : memref<1x625xi32, #tpu.memory_space<vmem>> -> memref<625xi32, #tpu.memory_space<vmem>>
        %dma_wait3A_137 = arith.constant 0 : i32
        %dma_wait3A_138 = arith.constant 0 : i32
        %dma_wait3A_139 = tpu.memref_slice %arg13[%dma_wait3A_137, %dma_wait3A_138] : memref<100096x16xf32, #tpu.memory_space<vmem_shared>> -> memref<100096x16xf32, #tpu.memory_space<vmem_shared>>
        tpu.wait_indirect_dma semaphore(%run_scoped3A_127 : memref<!tpu.dma_semaphore, #tpu.memory_space<semaphore_mem>>) src(%arg11 : memref<625x16xf32, #tpu.memory_space<vmem>>) dst(%dma_wait3A_139 : memref<100096x16xf32, #tpu.memory_space<vmem_shared>>)
        tpu.yield
      }) : () -> ()
      %add3A_108 = arith.constant 1 : i32
      %add3A_109 = arith.addi %add3A_75, %add3A_108 : i32
      %lt3A = arith.constant 40 : i32
      %lt3A_110 = arith.cmpi slt, %add3A_109, %lt3A : i32
      %convert_element_type3A = arith.extui %lt3A_110 : i1 to i32
      %cond3A = arith.constant 0 : i32
      %cond3A_111 = arith.cmpi ne, %convert_element_type3A, %cond3A : i32
      scf.if %cond3A_111 {
        %add3A_127 = arith.constant 1 : i32
        %add3A_128 = arith.addi %add3A_75, %add3A_127 : i32
        %mul3A_129 = arith.constant 2 : i32
        %mul3A_130 = arith.muli %mul3A_129, %add3A_128 : i32
        %add3A_131 = arith.addi %add3A, %mul3A_130 : i32
        %dma_start3A_132 = arith.constant 0 : i32
        %dma_start3A_133 = arith.constant 0 : i32
        %dma_start3A_134 = tpu.memref_slice %arg3[%add3A_131, %dma_start3A_132, %dma_start3A_133] : memref<2560x1x625xi32, #tpu.memory_space<hbm>> -> memref<1x1x625xi32, #tpu.memory_space<hbm>>
        %dma_start3A_135 = tpu.memref_squeeze %dma_start3A_134 : memref<1x1x625xi32, #tpu.memory_space<hbm>> -> memref<1x625xi32, #tpu.memory_space<hbm>>
        %dma_start3A_136 = arith.constant 0 : i32
        %dma_start3A_137 = arith.constant 0 : i32
        %dma_start3A_138 = tpu.memref_slice %arg3[%add3A_131, %dma_start3A_136, %dma_start3A_137] : memref<2560x1x625xi32, #tpu.memory_space<hbm>> -> memref<1x1x625xi32, #tpu.memory_space<hbm>>
        %dma_start3A_139 = tpu.memref_squeeze %dma_start3A_138 : memref<1x1x625xi32, #tpu.memory_space<hbm>> -> memref<1x625xi32, #tpu.memory_space<hbm>>
        tpu.enqueue_dma source(%dma_start3A_139 : memref<1x625xi32, #tpu.memory_space<hbm>>) target(%arg7 : memref<1x625xi32, #tpu.memory_space<vmem>>) target_semaphore(%arg14 : memref<!tpu.dma_semaphore, #tpu.memory_space<semaphore_mem>>)
        %dma_start3A_140 = arith.constant 0 : i32
        %dma_start3A_141 = arith.constant 0 : i32
        %dma_start3A_142 = tpu.memref_slice %arg4[%add3A_131, %dma_start3A_140, %dma_start3A_141] : memref<2560x1x625xi32, #tpu.memory_space<hbm>> -> memref<1x1x625xi32, #tpu.memory_space<hbm>>
        %dma_start3A_143 = tpu.memref_squeeze %dma_start3A_142 : memref<1x1x625xi32, #tpu.memory_space<hbm>> -> memref<1x625xi32, #tpu.memory_space<hbm>>
        %dma_start3A_144 = arith.constant 0 : i32
        %dma_start3A_145 = arith.constant 0 : i32
        %dma_start3A_146 = tpu.memref_slice %arg4[%add3A_131, %dma_start3A_144, %dma_start3A_145] : memref<2560x1x625xi32, #tpu.memory_space<hbm>> -> memref<1x1x625xi32, #tpu.memory_space<hbm>>
        %dma_start3A_147 = tpu.memref_squeeze %dma_start3A_146 : memref<1x1x625xi32, #tpu.memory_space<hbm>> -> memref<1x625xi32, #tpu.memory_space<hbm>>
        tpu.enqueue_dma source(%dma_start3A_147 : memref<1x625xi32, #tpu.memory_space<hbm>>) target(%arg9 : memref<1x625xi32, #tpu.memory_space<vmem>>) target_semaphore(%arg14 : memref<!tpu.dma_semaphore, #tpu.memory_space<semaphore_mem>>)
      } else {
      }
      %dma_wait3A_112 = arith.constant 0 : i32
      %dma_wait3A_113 = arith.constant 0 : i32
      %dma_wait3A_114 = tpu.memref_slice %arg8[%dma_wait3A_112, %dma_wait3A_113] : memref<1x625xi32, #tpu.memory_space<vmem>> -> memref<1x625xi32, #tpu.memory_space<vmem>>
      %dma_wait3A_115 = tpu.memref_squeeze %dma_wait3A_114 : memref<1x625xi32, #tpu.memory_space<vmem>> -> memref<625xi32, #tpu.memory_space<vmem>>
      %dma_wait3A_116 = arith.constant 0 : i32
      %dma_wait3A_117 = arith.constant 0 : i32
      %dma_wait3A_118 = tpu.memref_slice %arg2[%dma_wait3A_116, %dma_wait3A_117] : memref<100000x16xf32, #tpu.memory_space<hbm>> -> memref<100000x16xf32, #tpu.memory_space<hbm>>
      tpu.wait_indirect_dma semaphore(%arg16 : memref<!tpu.dma_semaphore, #tpu.memory_space<semaphore_mem>>) src(%dma_wait3A_118 : memref<100000x16xf32, #tpu.memory_space<hbm>>) dst(%arg12 : memref<625x16xf32, #tpu.memory_space<vmem>>)
      %run_scoped3A_119 = arith.constant 0 : i32
      "tpu.region"() ({
        %run_scoped3A_127 = tpu.sem_alloc : memref<!tpu.dma_semaphore, #tpu.memory_space<semaphore_mem>>
        %dma_start3A_128 = arith.constant 0 : i32
        %dma_start3A_129 = tpu.memref_slice %arg10[%run_scoped3A_119, %dma_start3A_128] : memref<1x625xi32, #tpu.memory_space<vmem>> -> memref<1x625xi32, #tpu.memory_space<vmem>>
        %dma_start3A_130 = tpu.memref_squeeze %dma_start3A_129 : memref<1x625xi32, #tpu.memory_space<vmem>> -> memref<625xi32, #tpu.memory_space<vmem>>
        %dma_start3A_131 = arith.constant 0 : i32
        %dma_start3A_132 = arith.constant 0 : i32
        %dma_start3A_133 = tpu.memref_slice %arg13[%dma_start3A_131, %dma_start3A_132] : memref<100096x16xf32, #tpu.memory_space<vmem_shared>> -> memref<100096x16xf32, #tpu.memory_space<vmem_shared>>
        tpu.enqueue_indirect_dma source(%arg12 : memref<625x16xf32, #tpu.memory_space<vmem>>) target(%dma_start3A_133 : memref<100096x16xf32, #tpu.memory_space<vmem_shared>>) offsets(%dma_start3A_130 : memref<625xi32, #tpu.memory_space<vmem>>) semaphore(%run_scoped3A_127 : memref<!tpu.dma_semaphore, #tpu.memory_space<semaphore_mem>>) {add = true}
        %dma_wait3A_134 = arith.constant 0 : i32
        %dma_wait3A_135 = tpu.memref_slice %arg10[%run_scoped3A_119, %dma_wait3A_134] : memref<1x625xi32, #tpu.memory_space<vmem>> -> memref<1x625xi32, #tpu.memory_space<vmem>>
        %dma_wait3A_136 = tpu.memref_squeeze %dma_wait3A_135 : memref<1x625xi32, #tpu.memory_space<vmem>> -> memref<625xi32, #tpu.memory_space<vmem>>
        %dma_wait3A_137 = arith.constant 0 : i32
        %dma_wait3A_138 = arith.constant 0 : i32
        %dma_wait3A_139 = tpu.memref_slice %arg13[%dma_wait3A_137, %dma_wait3A_138] : memref<100096x16xf32, #tpu.memory_space<vmem_shared>> -> memref<100096x16xf32, #tpu.memory_space<vmem_shared>>
        tpu.wait_indirect_dma semaphore(%run_scoped3A_127 : memref<!tpu.dma_semaphore, #tpu.memory_space<semaphore_mem>>) src(%arg12 : memref<625x16xf32, #tpu.memory_space<vmem>>) dst(%dma_wait3A_139 : memref<100096x16xf32, #tpu.memory_space<vmem_shared>>)
        tpu.yield
      }) : () -> ()
      %add3A_120 = arith.constant 1 : i32
      %add3A_121 = arith.addi %add3A_75, %add3A_120 : i32
      %lt3A_122 = arith.constant 40 : i32
      %lt3A_123 = arith.cmpi slt, %add3A_121, %lt3A_122 : i32
      %convert_element_type3A_124 = arith.extui %lt3A_123 : i1 to i32
      %cond3A_125 = arith.constant 0 : i32
      %cond3A_126 = arith.cmpi ne, %convert_element_type3A_124, %cond3A_125 : i32
      scf.if %cond3A_126 {
        %add3A_127 = arith.constant 1 : i32
        %add3A_128 = arith.addi %add3A_75, %add3A_127 : i32
        %mul3A_129 = arith.constant 2 : i32
        %mul3A_130 = arith.muli %mul3A_129, %add3A_128 : i32
        %add3A_131 = arith.addi %add3A, %mul3A_130 : i32
        %add3A_132 = arith.constant 1 : i32
        %add3A_133 = arith.addi %add3A_131, %add3A_132 : i32
        %dma_start3A_134 = arith.constant 0 : i32
        %dma_start3A_135 = arith.constant 0 : i32
        %dma_start3A_136 = tpu.memref_slice %arg3[%add3A_133, %dma_start3A_134, %dma_start3A_135] : memref<2560x1x625xi32, #tpu.memory_space<hbm>> -> memref<1x1x625xi32, #tpu.memory_space<hbm>>
        %dma_start3A_137 = tpu.memref_squeeze %dma_start3A_136 : memref<1x1x625xi32, #tpu.memory_space<hbm>> -> memref<1x625xi32, #tpu.memory_space<hbm>>
        %dma_start3A_138 = arith.constant 0 : i32
        %dma_start3A_139 = arith.constant 0 : i32
        %dma_start3A_140 = tpu.memref_slice %arg3[%add3A_133, %dma_start3A_138, %dma_start3A_139] : memref<2560x1x625xi32, #tpu.memory_space<hbm>> -> memref<1x1x625xi32, #tpu.memory_space<hbm>>
        %dma_start3A_141 = tpu.memref_squeeze %dma_start3A_140 : memref<1x1x625xi32, #tpu.memory_space<hbm>> -> memref<1x625xi32, #tpu.memory_space<hbm>>
        tpu.enqueue_dma source(%dma_start3A_141 : memref<1x625xi32, #tpu.memory_space<hbm>>) target(%arg8 : memref<1x625xi32, #tpu.memory_space<vmem>>) target_semaphore(%arg15 : memref<!tpu.dma_semaphore, #tpu.memory_space<semaphore_mem>>)
        %dma_start3A_142 = arith.constant 0 : i32
        %dma_start3A_143 = arith.constant 0 : i32
        %dma_start3A_144 = tpu.memref_slice %arg4[%add3A_133, %dma_start3A_142, %dma_start3A_143] : memref<2560x1x625xi32, #tpu.memory_space<hbm>> -> memref<1x1x625xi32, #tpu.memory_space<hbm>>
        %dma_start3A_145 = tpu.memref_squeeze %dma_start3A_144 : memref<1x1x625xi32, #tpu.memory_space<hbm>> -> memref<1x625xi32, #tpu.memory_space<hbm>>
        %dma_start3A_146 = arith.constant 0 : i32
        %dma_start3A_147 = arith.constant 0 : i32
        %dma_start3A_148 = tpu.memref_slice %arg4[%add3A_133, %dma_start3A_146, %dma_start3A_147] : memref<2560x1x625xi32, #tpu.memory_space<hbm>> -> memref<1x1x625xi32, #tpu.memory_space<hbm>>
        %dma_start3A_149 = tpu.memref_squeeze %dma_start3A_148 : memref<1x1x625xi32, #tpu.memory_space<hbm>> -> memref<1x625xi32, #tpu.memory_space<hbm>>
        tpu.enqueue_dma source(%dma_start3A_149 : memref<1x625xi32, #tpu.memory_space<hbm>>) target(%arg10 : memref<1x625xi32, #tpu.memory_space<vmem>>) target_semaphore(%arg15 : memref<!tpu.dma_semaphore, #tpu.memory_space<semaphore_mem>>)
        %dma_wait3A_150 = arith.constant 0 : i32
        %dma_wait3A_151 = arith.constant 0 : i32
        %dma_wait3A_152 = arith.constant 0 : i32
        %dma_wait3A_153 = tpu.memref_slice %arg3[%dma_wait3A_150, %dma_wait3A_151, %dma_wait3A_152] : memref<2560x1x625xi32, #tpu.memory_space<hbm>> -> memref<1x1x625xi32, #tpu.memory_space<hbm>>
        %dma_wait3A_154 = tpu.memref_squeeze %dma_wait3A_153 : memref<1x1x625xi32, #tpu.memory_space<hbm>> -> memref<1x625xi32, #tpu.memory_space<hbm>>
        %dma_wait3A_155 = arith.constant 0 : i32
        %dma_wait3A_156 = arith.constant 0 : i32
        %dma_wait3A_157 = tpu.memref_slice %arg3[%dma_wait3A_150, %dma_wait3A_155, %dma_wait3A_156] : memref<2560x1x625xi32, #tpu.memory_space<hbm>> -> memref<1x1x625xi32, #tpu.memory_space<hbm>>
        %dma_wait3A_158 = tpu.memref_squeeze %dma_wait3A_157 : memref<1x1x625xi32, #tpu.memory_space<hbm>> -> memref<1x625xi32, #tpu.memory_space<hbm>>
        tpu.wait_dma2 semaphore(%arg14 : memref<!tpu.dma_semaphore, #tpu.memory_space<semaphore_mem>>) src(%dma_wait3A_158 : memref<1x625xi32, #tpu.memory_space<hbm>>) dst(%arg7 : memref<1x625xi32, #tpu.memory_space<vmem>>)
        %dma_wait3A_159 = arith.constant 0 : i32
        %dma_wait3A_160 = arith.constant 0 : i32
        %dma_wait3A_161 = arith.constant 0 : i32
        %dma_wait3A_162 = tpu.memref_slice %arg4[%dma_wait3A_159, %dma_wait3A_160, %dma_wait3A_161] : memref<2560x1x625xi32, #tpu.memory_space<hbm>> -> memref<1x1x625xi32, #tpu.memory_space<hbm>>
        %dma_wait3A_163 = tpu.memref_squeeze %dma_wait3A_162 : memref<1x1x625xi32, #tpu.memory_space<hbm>> -> memref<1x625xi32, #tpu.memory_space<hbm>>
        %dma_wait3A_164 = arith.constant 0 : i32
        %dma_wait3A_165 = arith.constant 0 : i32
        %dma_wait3A_166 = tpu.memref_slice %arg4[%dma_wait3A_159, %dma_wait3A_164, %dma_wait3A_165] : memref<2560x1x625xi32, #tpu.memory_space<hbm>> -> memref<1x1x625xi32, #tpu.memory_space<hbm>>
        %dma_wait3A_167 = tpu.memref_squeeze %dma_wait3A_166 : memref<1x1x625xi32, #tpu.memory_space<hbm>> -> memref<1x625xi32, #tpu.memory_space<hbm>>
        tpu.wait_dma2 semaphore(%arg14 : memref<!tpu.dma_semaphore, #tpu.memory_space<semaphore_mem>>) src(%dma_wait3A_167 : memref<1x625xi32, #tpu.memory_space<hbm>>) dst(%arg9 : memref<1x625xi32, #tpu.memory_space<vmem>>)
        %dma_start3A_168 = arith.constant 0 : i32
        %dma_start3A_169 = arith.constant 0 : i32
        %dma_start3A_170 = tpu.memref_slice %arg7[%dma_start3A_168, %dma_start3A_169] : memref<1x625xi32, #tpu.memory_space<vmem>> -> memref<1x625xi32, #tpu.memory_space<vmem>>
        %dma_start3A_171 = tpu.memref_squeeze %dma_start3A_170 : memref<1x625xi32, #tpu.memory_space<vmem>> -> memref<625xi32, #tpu.memory_space<vmem>>
        %dma_start3A_172 = arith.constant 0 : i32
        %dma_start3A_173 = arith.constant 0 : i32
        %dma_start3A_174 = tpu.memref_slice %arg2[%dma_start3A_172, %dma_start3A_173] : memref<100000x16xf32, #tpu.memory_space<hbm>> -> memref<100000x16xf32, #tpu.memory_space<hbm>>
        tpu.enqueue_indirect_dma source(%dma_start3A_174 : memref<100000x16xf32, #tpu.memory_space<hbm>>) target(%arg11 : memref<625x16xf32, #tpu.memory_space<vmem>>) offsets(%dma_start3A_171 : memref<625xi32, #tpu.memory_space<vmem>>) semaphore(%arg16 : memref<!tpu.dma_semaphore, #tpu.memory_space<semaphore_mem>>)
      } else {
      }
    }
    %scan3A_65 = arith.constant 40 : i32
    %barrier3A_66 = arith.constant 0 : index
    tpu.barrier barrier_id(%barrier3A_66)
    %mul3A_67 = arith.constant 6256 : i32
    %mul3A_68 = arith.muli %arg1, %mul3A_67 : i32
    %mul3A_69 = arith.constant 6256 : i32
    %mul3A_70 = arith.muli %arg1, %mul3A_69 : i32
    "tpu.region"() ({
      %run_scoped3A = tpu.sem_alloc : memref<!tpu.dma_semaphore, #tpu.memory_space<semaphore_mem>>
      %dma_start3A_71 = arith.constant 0 : i32
      %dma_start3A_72 = tpu.memref_slice %arg6[%arg0, %mul3A_70, %dma_start3A_71] : memref<2x100096x16xf32, #tpu.memory_space<hbm>> -> memref<1x6256x16xf32, #tpu.memory_space<hbm>>
      %dma_start3A_73 = tpu.memref_squeeze %dma_start3A_72 : memref<1x6256x16xf32, #tpu.memory_space<hbm>> -> memref<6256x16xf32, #tpu.memory_space<hbm>>
      %dma_start3A_74 = arith.constant 0 : i32
      %dma_start3A_75 = tpu.memref_slice %arg13[%mul3A_68, %dma_start3A_74] : memref<100096x16xf32, #tpu.memory_space<vmem_shared>> -> memref<6256x16xf32, #tpu.memory_space<vmem_shared>>
      tpu.enqueue_dma source(%dma_start3A_75 : memref<6256x16xf32, #tpu.memory_space<vmem_shared>>) target(%dma_start3A_73 : memref<6256x16xf32, #tpu.memory_space<hbm>>) target_semaphore(%run_scoped3A : memref<!tpu.dma_semaphore, #tpu.memory_space<semaphore_mem>>)
      %dma_wait3A_76 = arith.constant 0 : i32
      %dma_wait3A_77 = tpu.memref_slice %arg6[%arg0, %mul3A_70, %dma_wait3A_76] : memref<2x100096x16xf32, #tpu.memory_space<hbm>> -> memref<1x6256x16xf32, #tpu.memory_space<hbm>>
      %dma_wait3A_78 = tpu.memref_squeeze %dma_wait3A_77 : memref<1x6256x16xf32, #tpu.memory_space<hbm>> -> memref<6256x16xf32, #tpu.memory_space<hbm>>
      %dma_wait3A_79 = arith.constant 0 : i32
      %dma_wait3A_80 = tpu.memref_slice %arg13[%mul3A_68, %dma_wait3A_79] : memref<100096x16xf32, #tpu.memory_space<vmem_shared>> -> memref<6256x16xf32, #tpu.memory_space<vmem_shared>>
      tpu.wait_dma2 semaphore(%run_scoped3A : memref<!tpu.dma_semaphore, #tpu.memory_space<semaphore_mem>>) src(%dma_wait3A_80 : memref<6256x16xf32, #tpu.memory_space<vmem_shared>>) dst(%dma_wait3A_78 : memref<6256x16xf32, #tpu.memory_space<hbm>>)
      tpu.yield
    }) : () -> ()
    return
  }
}

module attributes {stable_mosaic.version = 14 : i64} {
  func.func @_m1_body(%arg0: i32, %arg1: memref<2000x165xf32, #tpu.memory_space<vmem>>, %arg2: memref<165x32xf32, #tpu.memory_space<vmem>>, %arg3: memref<2000x32xf32, #tpu.memory_space<vmem>>) attributes {dimension_semantics = [#tpu.dimension_semantics<arbitrary>], iteration_bounds = array<i64: 50>, scalar_prefetch = 0 : i64, scratch_operands = 0 : i64, tpu.core_type = #tpu.core_type<tc>, window_params = [{transform_indices = @transform_0, window_bounds = array<i64: 2000, 165>}, {pipeline_mode = #tpu.pipeline_mode<synchronous>, transform_indices = @transform_1, window_bounds = array<i64: 165, 32>}, {transform_indices = @transform_2, window_bounds = array<i64: 2000, 32>}]} {
    %get3A = arith.constant 0 : index
    %get3A_0 = arith.constant 0 : index
    %get3A_1 = vector.load %arg1[%get3A, %get3A_0] : memref<2000x165xf32, #tpu.memory_space<vmem>>, vector<2000x165xf32>
    %get3A_2 = arith.constant 0 : index
    %get3A_3 = arith.constant 0 : index
    %get3A_4 = vector.load %arg2[%get3A_2, %get3A_3] : memref<165x32xf32, #tpu.memory_space<vmem>>, vector<165x32xf32>
    %dot_general3A = arith.constant dense<0.000000e+00> : vector<2000x32xf32>
    %dot_general3A_5 = tpu.matmul %get3A_1, %get3A_4, %dot_general3A {dimension_numbers = #tpu.dot_dimension_numbers<[1], [0], [0], [1], [0, 0, 1, 1], [], []>, transpose_lhs_hint = false} : vector<2000x165xf32>, vector<165x32xf32>, vector<2000x32xf32> -> vector<2000x32xf32>
    %swap3A = arith.constant 0 : index
    %swap3A_6 = arith.constant 0 : index
    %swap3A_7 = vector.load %arg3[%swap3A, %swap3A_6] : memref<2000x32xf32, #tpu.memory_space<vmem>>, vector<2000x32xf32>
    tpu.vector_store %arg3[%swap3A, %swap3A_6], %dot_general3A_5 {strides = array<i32>} : memref<2000x32xf32, #tpu.memory_space<vmem>>, vector<2000x32xf32>,
    return
  }
  func.func @transform_0(%arg0: i32) -> (i32, i32) {
    %c0_i32 = arith.constant 0 : i32
    %c0_i32_0 = arith.constant 0 : i32
    return %arg0, %c0_i32 : i32, i32
  }
  func.func @transform_1(%arg0: i32) -> (i32, i32) {
    %c0_i32 = arith.constant 0 : i32
    %c0_i32_0 = arith.constant 0 : i32
    %c0_i32_1 = arith.constant 0 : i32
    return %c0_i32, %c0_i32_0 : i32, i32
  }
  func.func @transform_2(%arg0: i32) -> (i32, i32) {
    %c0_i32 = arith.constant 0 : i32
    %c0_i32_0 = arith.constant 0 : i32
    return %arg0, %c0_i32 : i32, i32
  }
}

module attributes {stable_mosaic.version = 14 : i64} {
  func.func @_s2_body(%arg0: i32, %arg1: memref<2x2000x16xf32, #tpu.memory_space<vmem>>, %arg2: memref<2000x32xf32, #tpu.memory_space<vmem>>, %arg3: memref<2x2000x16xf32, #tpu.memory_space<vmem>>, %arg4: memref<2000x32xf32, #tpu.memory_space<vmem>>, %arg5: memref<2000x1xf32, #tpu.memory_space<vmem>>) attributes {dimension_semantics = [#tpu.dimension_semantics<arbitrary>], iteration_bounds = array<i64: 50>, scalar_prefetch = 0 : i64, scratch_operands = 0 : i64, tpu.core_type = #tpu.core_type<tc>, window_params = [{transform_indices = @transform_0, window_bounds = array<i64: 2, 2000, 16>}, {transform_indices = @transform_1, window_bounds = array<i64: 2000, 32>}, {transform_indices = @transform_2, window_bounds = array<i64: 2, 2000, 16>}, {transform_indices = @transform_3, window_bounds = array<i64: 2000, 32>}, {transform_indices = @transform_4, window_bounds = array<i64: 2000, 1>}]} {
    %get3A = arith.constant 0 : index
    %get3A_0 = arith.constant 0 : index
    %get3A_1 = arith.constant 0 : index
    %get3A_2 = vector.load %arg1[%get3A, %get3A_0, %get3A_1] : memref<2x2000x16xf32, #tpu.memory_space<vmem>>, vector<1x2000x16xf32>
    %get3A_3 = vector.shape_cast %get3A_2 : vector<1x2000x16xf32> to vector<2000x16xf32>
    %get3A_4 = arith.constant 1 : index
    %get3A_5 = arith.constant 0 : index
    %get3A_6 = arith.constant 0 : index
    %get3A_7 = vector.load %arg1[%get3A_4, %get3A_5, %get3A_6] : memref<2x2000x16xf32, #tpu.memory_space<vmem>>, vector<1x2000x16xf32>
    %get3A_8 = vector.shape_cast %get3A_7 : vector<1x2000x16xf32> to vector<2000x16xf32>
    %add3A = arith.addf %get3A_3, %get3A_8 : vector<2000x16xf32>
    %add3A_9 = arith.constant 1.000000e+00 : f32
    %add3A_10 = vector.broadcast %add3A_9 : f32 to vector<2000x16xf32>
    %add3A_11 = arith.addf %add3A, %add3A_10 : vector<2000x16xf32>
    %rsqrt3A = math.rsqrt %add3A_11 : vector<2000x16xf32>
    %get3A_12 = arith.constant 0 : index
    %get3A_13 = arith.constant 0 : index
    %get3A_14 = vector.load %arg2[%get3A_12, %get3A_13] : memref<2000x32xf32, #tpu.memory_space<vmem>>, vector<2000x32xf32>
    %concatenate3A = tpu.concatenate %rsqrt3A, %rsqrt3A in 1 : vector<2000x16xf32>, vector<2000x16xf32> -> vector<2000x32xf32>
    %mul3A = arith.mulf %get3A_14, %concatenate3A : vector<2000x32xf32>
    %swap3A = arith.constant 0 : index
    %swap3A_15 = arith.constant 0 : index
    %swap3A_16 = vector.load %arg4[%swap3A, %swap3A_15] : memref<2000x32xf32, #tpu.memory_space<vmem>>, vector<2000x32xf32>
    tpu.vector_store %arg4[%swap3A, %swap3A_15], %mul3A {strides = array<i32>} : memref<2000x32xf32, #tpu.memory_space<vmem>>, vector<2000x32xf32>,
    %slice3A = vector.extract_strided_slice %rsqrt3A {offsets = [0, 0], sizes = [2000, 1], strides = [1, 1]} : vector<2000x16xf32> to vector<2000x1xf32>
    %swap3A_17 = arith.constant 0 : index
    %swap3A_18 = arith.constant 0 : index
    %swap3A_19 = vector.load %arg5[%swap3A_17, %swap3A_18] : memref<2000x1xf32, #tpu.memory_space<vmem>>, vector<2000x1xf32>
    tpu.vector_store %arg5[%swap3A_17, %swap3A_18], %slice3A {strides = array<i32>} : memref<2000x1xf32, #tpu.memory_space<vmem>>, vector<2000x1xf32>,
    %slice3A_20 = vector.extract_strided_slice %mul3A {offsets = [0, 0], sizes = [2000, 16], strides = [1, 1]} : vector<2000x32xf32> to vector<2000x16xf32>
    %swap3A_21 = arith.constant 0 : index
    %swap3A_22 = arith.constant 0 : index
    %swap3A_23 = arith.constant 0 : index
    %swap3A_24 = vector.load %arg3[%swap3A_21, %swap3A_22, %swap3A_23] : memref<2x2000x16xf32, #tpu.memory_space<vmem>>, vector<1x2000x16xf32>
    %swap3A_25 = vector.shape_cast %swap3A_24 : vector<1x2000x16xf32> to vector<2000x16xf32>
    %swap3A_26 = vector.shape_cast %slice3A_20 : vector<2000x16xf32> to vector<1x2000x16xf32>
    tpu.vector_store %arg3[%swap3A_21, %swap3A_22, %swap3A_23], %swap3A_26 {strides = array<i32>} : memref<2x2000x16xf32, #tpu.memory_space<vmem>>, vector<1x2000x16xf32>,
    %slice3A_27 = vector.extract_strided_slice %mul3A {offsets = [0, 16], sizes = [2000, 16], strides = [1, 1]} : vector<2000x32xf32> to vector<2000x16xf32>
    %swap3A_28 = arith.constant 1 : index
    %swap3A_29 = arith.constant 0 : index
    %swap3A_30 = arith.constant 0 : index
    %swap3A_31 = vector.load %arg3[%swap3A_28, %swap3A_29, %swap3A_30] : memref<2x2000x16xf32, #tpu.memory_space<vmem>>, vector<1x2000x16xf32>
    %swap3A_32 = vector.shape_cast %swap3A_31 : vector<1x2000x16xf32> to vector<2000x16xf32>
    %swap3A_33 = vector.shape_cast %slice3A_27 : vector<2000x16xf32> to vector<1x2000x16xf32>
    tpu.vector_store %arg3[%swap3A_28, %swap3A_29, %swap3A_30], %swap3A_33 {strides = array<i32>} : memref<2x2000x16xf32, #tpu.memory_space<vmem>>, vector<1x2000x16xf32>,
    return
  }
  func.func @transform_0(%arg0: i32) -> (i32, i32, i32) {
    %c0_i32 = arith.constant 0 : i32
    %c0_i32_0 = arith.constant 0 : i32
    %c0_i32_1 = arith.constant 0 : i32
    return %c0_i32, %arg0, %c0_i32_0 : i32, i32, i32
  }
  func.func @transform_1(%arg0: i32) -> (i32, i32) {
    %c0_i32 = arith.constant 0 : i32
    %c0_i32_0 = arith.constant 0 : i32
    return %arg0, %c0_i32 : i32, i32
  }
  func.func @transform_2(%arg0: i32) -> (i32, i32, i32) {
    %c0_i32 = arith.constant 0 : i32
    %c0_i32_0 = arith.constant 0 : i32
    %c0_i32_1 = arith.constant 0 : i32
    return %c0_i32, %arg0, %c0_i32_0 : i32, i32, i32
  }
  func.func @transform_3(%arg0: i32) -> (i32, i32) {
    %c0_i32 = arith.constant 0 : i32
    %c0_i32_0 = arith.constant 0 : i32
    return %arg0, %c0_i32 : i32, i32
  }
  func.func @transform_4(%arg0: i32) -> (i32, i32) {
    %c0_i32 = arith.constant 0 : i32
    %c0_i32_0 = arith.constant 0 : i32
    return %arg0, %c0_i32 : i32, i32
  }
}

module attributes {stable_mosaic.version = 14 : i64} {
  func.func @_c2a_body(%arg0: i32, %arg1: memref<2x2000x16xf32, #tpu.memory_space<vmem>>, %arg2: memref<2000x32xf32, #tpu.memory_space<vmem>>, %arg3: memref<2000x1xf32, #tpu.memory_space<vmem>>, %arg4: memref<1x32xf32, #tpu.memory_space<vmem>>, %arg5: memref<2000x32xf32, #tpu.memory_space<vmem>>, %arg6: memref<2x32xf32, #tpu.memory_space<vmem>>) attributes {dimension_semantics = [#tpu.dimension_semantics<arbitrary>], iteration_bounds = array<i64: 50>, scalar_prefetch = 0 : i64, scratch_operands = 0 : i64, tpu.core_type = #tpu.core_type<tc>, window_params = [{transform_indices = @transform_0, window_bounds = array<i64: 2, 2000, 16>}, {transform_indices = @transform_1, window_bounds = array<i64: 2000, 32>}, {transform_indices = @transform_2, window_bounds = array<i64: 2000, 1>}, {pipeline_mode = #tpu.pipeline_mode<synchronous>, transform_indices = @transform_3, window_bounds = array<i64: 1, 32>}, {transform_indices = @transform_4, window_bounds = array<i64: 2000, 32>}, {pipeline_mode = #tpu.pipeline_mode<synchronous>, transform_indices = @transform_5, window_bounds = array<i64: 2, 32>}]} {
    %get3A = arith.constant 0 : index
    %get3A_0 = arith.constant 0 : index
    %get3A_1 = arith.constant 0 : index
    %get3A_2 = vector.load %arg1[%get3A, %get3A_0, %get3A_1] : memref<2x2000x16xf32, #tpu.memory_space<vmem>>, vector<1x2000x16xf32>
    %get3A_3 = vector.shape_cast %get3A_2 : vector<1x2000x16xf32> to vector<2000x16xf32>
    %get3A_4 = arith.constant 1 : index
    %get3A_5 = arith.constant 0 : index
    %get3A_6 = arith.constant 0 : index
    %get3A_7 = vector.load %arg1[%get3A_4, %get3A_5, %get3A_6] : memref<2x2000x16xf32, #tpu.memory_space<vmem>>, vector<1x2000x16xf32>
    %get3A_8 = vector.shape_cast %get3A_7 : vector<1x2000x16xf32> to vector<2000x16xf32>
    %concatenate3A = tpu.concatenate %get3A_3, %get3A_8 in 1 : vector<2000x16xf32>, vector<2000x16xf32> -> vector<2000x32xf32>
    %get3A_9 = arith.constant 0 : index
    %get3A_10 = arith.constant 0 : index
    %get3A_11 = vector.load %arg3[%get3A_9, %get3A_10] : memref<2000x1xf32, #tpu.memory_space<vmem>>, vector<2000x1xf32>
    %get3A_12 = arith.constant 0 : index
    %get3A_13 = arith.constant 0 : index
    %get3A_14 = vector.load %arg2[%get3A_12, %get3A_13] : memref<2000x32xf32, #tpu.memory_space<vmem>>, vector<2000x32xf32>
    %add3A = arith.addf %concatenate3A, %get3A_14 : vector<2000x32xf32>
    %mul3A = vector.broadcast %get3A_11 : vector<2000x1xf32> to vector<2000x32xf32>
    %mul3A_15 = arith.mulf %mul3A, %add3A : vector<2000x32xf32>
    %get3A_16 = arith.constant 0 : index
    %get3A_17 = arith.constant 0 : index
    %get3A_18 = vector.load %arg4[%get3A_16, %get3A_17] : memref<1x32xf32, #tpu.memory_space<vmem>>, vector<1x32xf32>
    %add3A_19 = vector.broadcast %get3A_18 : vector<1x32xf32> to vector<2000x32xf32>
    %add3A_20 = arith.addf %mul3A_15, %add3A_19 : vector<2000x32xf32>
    %swap3A = arith.constant 0 : index
    %swap3A_21 = arith.constant 0 : index
    %swap3A_22 = vector.load %arg5[%swap3A, %swap3A_21] : memref<2000x32xf32, #tpu.memory_space<vmem>>, vector<2000x32xf32>
    tpu.vector_store %arg5[%swap3A, %swap3A_21], %add3A_20 {strides = array<i32>} : memref<2000x32xf32, #tpu.memory_space<vmem>>, vector<2000x32xf32>,
    %eq3A = arith.constant 0 : i32
    %eq3A_23 = arith.cmpi eq, %arg0, %eq3A : i32
    %convert_element_type3A = arith.extui %eq3A_23 : i1 to i32
    %cond3A = arith.constant 0 : i32
    %cond3A_24 = arith.cmpi ne, %convert_element_type3A, %cond3A : i32
    scf.if %cond3A_24 {
      %broadcast_in_dim3A_44 = arith.constant 0.000000e+00 : f32
      %broadcast_in_dim3A_45 = vector.broadcast %broadcast_in_dim3A_44 : f32 to vector<2x32xf32>
      %swap3A_46 = arith.constant 0 : index
      %swap3A_47 = arith.constant 0 : index
      %swap3A_48 = vector.load %arg6[%swap3A_46, %swap3A_47] : memref<2x32xf32, #tpu.memory_space<vmem>>, vector<2x32xf32>
      tpu.vector_store %arg6[%swap3A_46, %swap3A_47], %broadcast_in_dim3A_45 {strides = array<i32>} : memref<2x32xf32, #tpu.memory_space<vmem>>, vector<2x32xf32>,
    } else {
    }
    %get3A_25 = arith.constant 0 : index
    %get3A_26 = arith.constant 0 : index
    %get3A_27 = vector.load %arg6[%get3A_25, %get3A_26] : memref<2x32xf32, #tpu.memory_space<vmem>>, vector<1x32xf32>
    %reduce_sum3A = arith.constant dense<0.000000e+00> : vector<32xf32>
    %reduce_sum3A_28 = vector.multi_reduction <add>, %add3A_20, %reduce_sum3A [0] : vector<2000x32xf32> to vector<32xf32>
    %broadcast_in_dim3A = vector.shape_cast %reduce_sum3A_28 : vector<32xf32> to vector<1x32xf32>
    %add3A_29 = arith.addf %get3A_27, %broadcast_in_dim3A : vector<1x32xf32>
    %swap3A_30 = arith.constant 0 : index
    %swap3A_31 = arith.constant 0 : index
    %swap3A_32 = vector.load %arg6[%swap3A_30, %swap3A_31] : memref<2x32xf32, #tpu.memory_space<vmem>>, vector<1x32xf32>
    tpu.vector_store %arg6[%swap3A_30, %swap3A_31], %add3A_29 {strides = array<i32>} : memref<2x32xf32, #tpu.memory_space<vmem>>, vector<1x32xf32>,
    %get3A_33 = arith.constant 1 : index
    %get3A_34 = arith.constant 0 : index
    %get3A_35 = vector.load %arg6[%get3A_33, %get3A_34] : memref<2x32xf32, #tpu.memory_space<vmem>>, vector<1x32xf32>
    %mul3A_36 = arith.mulf %add3A_20, %add3A_20 : vector<2000x32xf32>
    %reduce_sum3A_37 = arith.constant dense<0.000000e+00> : vector<32xf32>
    %reduce_sum3A_38 = vector.multi_reduction <add>, %mul3A_36, %reduce_sum3A_37 [0] : vector<2000x32xf32> to vector<32xf32>
    %broadcast_in_dim3A_39 = vector.shape_cast %reduce_sum3A_38 : vector<32xf32> to vector<1x32xf32>
    %add3A_40 = arith.addf %get3A_35, %broadcast_in_dim3A_39 : vector<1x32xf32>
    %swap3A_41 = arith.constant 1 : index
    %swap3A_42 = arith.constant 0 : index
    %swap3A_43 = vector.load %arg6[%swap3A_41, %swap3A_42] : memref<2x32xf32, #tpu.memory_space<vmem>>, vector<1x32xf32>
    tpu.vector_store %arg6[%swap3A_41, %swap3A_42], %add3A_40 {strides = array<i32>} : memref<2x32xf32, #tpu.memory_space<vmem>>, vector<1x32xf32>,
    return
  }
  func.func @transform_0(%arg0: i32) -> (i32, i32, i32) {
    %c0_i32 = arith.constant 0 : i32
    %c0_i32_0 = arith.constant 0 : i32
    %c0_i32_1 = arith.constant 0 : i32
    return %c0_i32, %arg0, %c0_i32_0 : i32, i32, i32
  }
  func.func @transform_1(%arg0: i32) -> (i32, i32) {
    %c0_i32 = arith.constant 0 : i32
    %c0_i32_0 = arith.constant 0 : i32
    return %arg0, %c0_i32 : i32, i32
  }
  func.func @transform_2(%arg0: i32) -> (i32, i32) {
    %c0_i32 = arith.constant 0 : i32
    %c0_i32_0 = arith.constant 0 : i32
    return %arg0, %c0_i32 : i32, i32
  }
  func.func @transform_3(%arg0: i32) -> (i32, i32) {
    %c0_i32 = arith.constant 0 : i32
    %c0_i32_0 = arith.constant 0 : i32
    %c0_i32_1 = arith.constant 0 : i32
    return %c0_i32, %c0_i32_0 : i32, i32
  }
  func.func @transform_4(%arg0: i32) -> (i32, i32) {
    %c0_i32 = arith.constant 0 : i32
    %c0_i32_0 = arith.constant 0 : i32
    return %arg0, %c0_i32 : i32, i32
  }
  func.func @transform_5(%arg0: i32) -> (i32, i32) {
    %c0_i32 = arith.constant 0 : i32
    %c0_i32_0 = arith.constant 0 : i32
    %c0_i32_1 = arith.constant 0 : i32
    return %c0_i32, %c0_i32_0 : i32, i32
  }
}

module attributes {stable_mosaic.version = 14 : i64} {
  func.func @_c2b_body(%arg0: i32, %arg1: memref<2000x32xf32, #tpu.memory_space<vmem>>, %arg2: memref<2x32xf32, #tpu.memory_space<vmem>>, %arg3: memref<1x32xf32, #tpu.memory_space<vmem>>, %arg4: memref<1x32xf32, #tpu.memory_space<vmem>>, %arg5: memref<2000x1xf32, #tpu.memory_space<vmem>>, %arg6: memref<32x2xf32, #tpu.memory_space<vmem>>, %arg7: memref<2000x16xf32, #tpu.memory_space<vmem>>) attributes {dimension_semantics = [#tpu.dimension_semantics<arbitrary>], iteration_bounds = array<i64: 50>, scalar_prefetch = 0 : i64, scratch_operands = 0 : i64, tpu.core_type = #tpu.core_type<tc>, window_params = [{transform_indices = @transform_0, window_bounds = array<i64: 2000, 32>}, {pipeline_mode = #tpu.pipeline_mode<synchronous>, transform_indices = @transform_1, window_bounds = array<i64: 2, 32>}, {pipeline_mode = #tpu.pipeline_mode<synchronous>, transform_indices = @transform_2, window_bounds = array<i64: 1, 32>}, {pipeline_mode = #tpu.pipeline_mode<synchronous>, transform_indices = @transform_3, window_bounds = array<i64: 1, 32>}, {transform_indices = @transform_4, window_bounds = array<i64: 2000, 1>}, {pipeline_mode = #tpu.pipeline_mode<synchronous>, transform_indices = @transform_5, window_bounds = array<i64: 32, 2>}, {transform_indices = @transform_6, window_bounds = array<i64: 2000, 16>}]} {
    %get3A = arith.constant 0 : index
    %get3A_0 = arith.constant 0 : index
    %get3A_1 = vector.load %arg2[%get3A, %get3A_0] : memref<2x32xf32, #tpu.memory_space<vmem>>, vector<1x32xf32>
    %mul3A = arith.constant 9.99999974E-6 : f32
    %mul3A_2 = vector.broadcast %mul3A : f32 to vector<1x32xf32>
    %mul3A_3 = arith.mulf %get3A_1, %mul3A_2 : vector<1x32xf32>
    %get3A_4 = arith.constant 1 : index
    %get3A_5 = arith.constant 0 : index
    %get3A_6 = vector.load %arg2[%get3A_4, %get3A_5] : memref<2x32xf32, #tpu.memory_space<vmem>>, vector<1x32xf32>
    %mul3A_7 = arith.constant 9.99999974E-6 : f32
    %mul3A_8 = vector.broadcast %mul3A_7 : f32 to vector<1x32xf32>
    %mul3A_9 = arith.mulf %get3A_6, %mul3A_8 : vector<1x32xf32>
    %mul3A_10 = arith.mulf %mul3A_3, %mul3A_3 : vector<1x32xf32>
    %sub3A = arith.subf %mul3A_9, %mul3A_10 : vector<1x32xf32>
    %add3A = arith.constant 9.99999974E-6 : f32
    %add3A_11 = vector.broadcast %add3A : f32 to vector<1x32xf32>
    %add3A_12 = arith.addf %sub3A, %add3A_11 : vector<1x32xf32>
    %rsqrt3A = math.rsqrt %add3A_12 : vector<1x32xf32>
    %get3A_13 = arith.constant 0 : index
    %get3A_14 = arith.constant 0 : index
    %get3A_15 = vector.load %arg1[%get3A_13, %get3A_14] : memref<2000x32xf32, #tpu.memory_space<vmem>>, vector<2000x32xf32>
    %sub3A_16 = vector.broadcast %mul3A_3 : vector<1x32xf32> to vector<2000x32xf32>
    %sub3A_17 = arith.subf %get3A_15, %sub3A_16 : vector<2000x32xf32>
    %mul3A_18 = vector.broadcast %rsqrt3A : vector<1x32xf32> to vector<2000x32xf32>
    %mul3A_19 = arith.mulf %sub3A_17, %mul3A_18 : vector<2000x32xf32>
    %get3A_20 = arith.constant 0 : index
    %get3A_21 = arith.constant 0 : index
    %get3A_22 = vector.load %arg3[%get3A_20, %get3A_21] : memref<1x32xf32, #tpu.memory_space<vmem>>, vector<1x32xf32>
    %mul3A_23 = vector.broadcast %get3A_22 : vector<1x32xf32> to vector<2000x32xf32>
    %mul3A_24 = arith.mulf %mul3A_19, %mul3A_23 : vector<2000x32xf32>
    %get3A_25 = arith.constant 0 : index
    %get3A_26 = arith.constant 0 : index
    %get3A_27 = vector.load %arg4[%get3A_25, %get3A_26] : memref<1x32xf32, #tpu.memory_space<vmem>>, vector<1x32xf32>
    %add3A_28 = vector.broadcast %get3A_27 : vector<1x32xf32> to vector<2000x32xf32>
    %add3A_29 = arith.addf %mul3A_24, %add3A_28 : vector<2000x32xf32>
    %max3A = arith.constant 0.000000e+00 : f32
    %max3A_30 = vector.broadcast %max3A : f32 to vector<2000x32xf32>
    %max3A_31 = arith.maximumf %add3A_29, %max3A_30 : vector<2000x32xf32>
    %get3A_32 = arith.constant 0 : index
    %get3A_33 = arith.constant 0 : index
    %get3A_34 = vector.load %arg6[%get3A_32, %get3A_33] : memref<32x2xf32, #tpu.memory_space<vmem>>, vector<32x2xf32>
    %dot_general3A = arith.constant dense<0.000000e+00> : vector<2000x2xf32>
    %dot_general3A_35 = tpu.matmul %max3A_31, %get3A_34, %dot_general3A {dimension_numbers = #tpu.dot_dimension_numbers<[1], [0], [0], [1], [0, 0, 1, 1], [], []>, transpose_lhs_hint = false} : vector<2000x32xf32>, vector<32x2xf32>, vector<2000x2xf32> -> vector<2000x2xf32>
    %get3A_36 = arith.constant 0 : index
    %get3A_37 = arith.constant 0 : index
    %get3A_38 = vector.load %arg5[%get3A_36, %get3A_37] : memref<2000x1xf32, #tpu.memory_space<vmem>>, vector<2000x1xf32>
    %mul3A_39 = vector.broadcast %get3A_38 : vector<2000x1xf32> to vector<2000x2xf32>
    %mul3A_40 = arith.mulf %dot_general3A_35, %mul3A_39 : vector<2000x2xf32>
    %broadcast_in_dim3A = arith.constant 0.000000e+00 : f32
    %broadcast_in_dim3A_41 = vector.broadcast %broadcast_in_dim3A : f32 to vector<2000x14xf32>
    %concatenate3A = tpu.concatenate %mul3A_40, %broadcast_in_dim3A_41 in 1 : vector<2000x2xf32>, vector<2000x14xf32> -> vector<2000x16xf32>
    %swap3A = arith.constant 0 : index
    %swap3A_42 = arith.constant 0 : index
    %swap3A_43 = vector.load %arg7[%swap3A, %swap3A_42] : memref<2000x16xf32, #tpu.memory_space<vmem>>, vector<2000x16xf32>
    tpu.vector_store %arg7[%swap3A, %swap3A_42], %concatenate3A {strides = array<i32>} : memref<2000x16xf32, #tpu.memory_space<vmem>>, vector<2000x16xf32>,
    return
  }
  func.func @transform_0(%arg0: i32) -> (i32, i32) {
    %c0_i32 = arith.constant 0 : i32
    %c0_i32_0 = arith.constant 0 : i32
    return %arg0, %c0_i32 : i32, i32
  }
  func.func @transform_1(%arg0: i32) -> (i32, i32) {
    %c0_i32 = arith.constant 0 : i32
    %c0_i32_0 = arith.constant 0 : i32
    %c0_i32_1 = arith.constant 0 : i32
    return %c0_i32, %c0_i32_0 : i32, i32
  }
  func.func @transform_2(%arg0: i32) -> (i32, i32) {
    %c0_i32 = arith.constant 0 : i32
    %c0_i32_0 = arith.constant 0 : i32
    %c0_i32_1 = arith.constant 0 : i32
    return %c0_i32, %c0_i32_0 : i32, i32
  }
  func.func @transform_3(%arg0: i32) -> (i32, i32) {
    %c0_i32 = arith.constant 0 : i32
    %c0_i32_0 = arith.constant 0 : i32
    %c0_i32_1 = arith.constant 0 : i32
    return %c0_i32, %c0_i32_0 : i32, i32
  }
  func.func @transform_4(%arg0: i32) -> (i32, i32) {
    %c0_i32 = arith.constant 0 : i32
    %c0_i32_0 = arith.constant 0 : i32
    return %arg0, %c0_i32 : i32, i32
  }
  func.func @transform_5(%arg0: i32) -> (i32, i32) {
    %c0_i32 = arith.constant 0 : i32
    %c0_i32_0 = arith.constant 0 : i32
    %c0_i32_1 = arith.constant 0 : i32
    return %c0_i32, %c0_i32_0 : i32, i32
  }
  func.func @transform_6(%arg0: i32) -> (i32, i32) {
    %c0_i32 = arith.constant 0 : i32
    %c0_i32_0 = arith.constant 0 : i32
    return %arg0, %c0_i32 : i32, i32
  }
}

module attributes {stable_mosaic.version = 14 : i64} {
  func.func @_c3_body(%arg0: i32, %arg1: memref<2x2000x16xf32, #tpu.memory_space<vmem>>, %arg2: memref<2000x16xf32, #tpu.memory_space<vmem>>, %arg3: memref<2000x1xf32, #tpu.memory_space<vmem>>, %arg4: memref<1x2xf32, #tpu.memory_space<vmem>>, %arg5: memref<2000x2xf32, #tpu.memory_space<vmem>>) attributes {dimension_semantics = [#tpu.dimension_semantics<arbitrary>], iteration_bounds = array<i64: 50>, scalar_prefetch = 0 : i64, scratch_operands = 0 : i64, tpu.core_type = #tpu.core_type<tc>, window_params = [{transform_indices = @transform_0, window_bounds = array<i64: 2, 2000, 16>}, {transform_indices = @transform_1, window_bounds = array<i64: 2000, 16>}, {transform_indices = @transform_2, window_bounds = array<i64: 2000, 1>}, {pipeline_mode = #tpu.pipeline_mode<synchronous>, transform_indices = @transform_3, window_bounds = array<i64: 1, 2>}, {transform_indices = @transform_4, window_bounds = array<i64: 2000, 2>}]} {
    %get3A = arith.constant 0 : index
    %get3A_0 = arith.constant 0 : index
    %get3A_1 = arith.constant 0 : index
    %get3A_2 = vector.load %arg1[%get3A, %get3A_0, %get3A_1] : memref<2x2000x16xf32, #tpu.memory_space<vmem>>, vector<1x2000x16xf32>
    %get3A_3 = vector.shape_cast %get3A_2 : vector<1x2000x16xf32> to vector<2000x16xf32>
    %slice3A = vector.extract_strided_slice %get3A_3 {offsets = [0, 0], sizes = [2000, 2], strides = [1, 1]} : vector<2000x16xf32> to vector<2000x2xf32>
    %get3A_4 = arith.constant 1 : index
    %get3A_5 = arith.constant 0 : index
    %get3A_6 = arith.constant 0 : index
    %get3A_7 = vector.load %arg1[%get3A_4, %get3A_5, %get3A_6] : memref<2x2000x16xf32, #tpu.memory_space<vmem>>, vector<1x2000x16xf32>
    %get3A_8 = vector.shape_cast %get3A_7 : vector<1x2000x16xf32> to vector<2000x16xf32>
    %slice3A_9 = vector.extract_strided_slice %get3A_8 {offsets = [0, 0], sizes = [2000, 2], strides = [1, 1]} : vector<2000x16xf32> to vector<2000x2xf32>
    %add3A = arith.addf %slice3A, %slice3A_9 : vector<2000x2xf32>
    %get3A_10 = arith.constant 0 : index
    %get3A_11 = arith.constant 0 : index
    %get3A_12 = vector.load %arg3[%get3A_10, %get3A_11] : memref<2000x1xf32, #tpu.memory_space<vmem>>, vector<2000x1xf32>
    %get3A_13 = arith.constant 0 : index
    %get3A_14 = arith.constant 0 : index
    %get3A_15 = vector.load %arg2[%get3A_13, %get3A_14] : memref<2000x16xf32, #tpu.memory_space<vmem>>, vector<2000x2xf32>
    %add3A_16 = arith.addf %add3A, %get3A_15 : vector<2000x2xf32>
    %mul3A = vector.broadcast %get3A_12 : vector<2000x1xf32> to vector<2000x2xf32>
    %mul3A_17 = arith.mulf %mul3A, %add3A_16 : vector<2000x2xf32>
    %get3A_18 = arith.constant 0 : index
    %get3A_19 = arith.constant 0 : index
    %get3A_20 = vector.load %arg4[%get3A_18, %get3A_19] : memref<1x2xf32, #tpu.memory_space<vmem>>, vector<1x2xf32>
    %add3A_21 = vector.broadcast %get3A_20 : vector<1x2xf32> to vector<2000x2xf32>
    %add3A_22 = arith.addf %mul3A_17, %add3A_21 : vector<2000x2xf32>
    %reduce_max3A = arith.constant dense<0xFF800000> : vector<2000xf32>
    %reduce_max3A_23 = vector.multi_reduction <maximumf>, %add3A_22, %reduce_max3A [1] : vector<2000x2xf32> to vector<2000xf32>
    %broadcast_in_dim3A = vector.shape_cast %reduce_max3A_23 : vector<2000xf32> to vector<2000x1xf32>
    %sub3A = vector.broadcast %broadcast_in_dim3A : vector<2000x1xf32> to vector<2000x2xf32>
    %sub3A_24 = arith.subf %add3A_22, %sub3A : vector<2000x2xf32>
    %exp3A = math.exp %sub3A_24 : vector<2000x2xf32>
    %reduce_sum3A = arith.constant dense<0.000000e+00> : vector<2000xf32>
    %reduce_sum3A_25 = vector.multi_reduction <add>, %exp3A, %reduce_sum3A [1] : vector<2000x2xf32> to vector<2000xf32>
    %broadcast_in_dim3A_26 = vector.shape_cast %reduce_sum3A_25 : vector<2000xf32> to vector<2000x1xf32>
    %log3A = math.log %broadcast_in_dim3A_26 : vector<2000x1xf32>
    %add3A_27 = arith.addf %broadcast_in_dim3A, %log3A : vector<2000x1xf32>
    %sub3A_28 = vector.broadcast %add3A_27 : vector<2000x1xf32> to vector<2000x2xf32>
    %sub3A_29 = arith.subf %add3A_22, %sub3A_28 : vector<2000x2xf32>
    %swap3A = arith.constant 0 : index
    %swap3A_30 = arith.constant 0 : index
    %swap3A_31 = vector.load %arg5[%swap3A, %swap3A_30] : memref<2000x2xf32, #tpu.memory_space<vmem>>, vector<2000x2xf32>
    tpu.vector_store %arg5[%swap3A, %swap3A_30], %sub3A_29 {strides = array<i32>} : memref<2000x2xf32, #tpu.memory_space<vmem>>, vector<2000x2xf32>,
    return
  }
  func.func @transform_0(%arg0: i32) -> (i32, i32, i32) {
    %c0_i32 = arith.constant 0 : i32
    %c0_i32_0 = arith.constant 0 : i32
    %c0_i32_1 = arith.constant 0 : i32
    return %c0_i32, %arg0, %c0_i32_0 : i32, i32, i32
  }
  func.func @transform_1(%arg0: i32) -> (i32, i32) {
    %c0_i32 = arith.constant 0 : i32
    %c0_i32_0 = arith.constant 0 : i32
    return %arg0, %c0_i32 : i32, i32
  }
  func.func @transform_2(%arg0: i32) -> (i32, i32) {
    %c0_i32 = arith.constant 0 : i32
    %c0_i32_0 = arith.constant 0 : i32
    return %arg0, %c0_i32 : i32, i32
  }
  func.func @transform_3(%arg0: i32) -> (i32, i32) {
    %c0_i32 = arith.constant 0 : i32
    %c0_i32_0 = arith.constant 0 : i32
    %c0_i32_1 = arith.constant 0 : i32
    return %c0_i32, %c0_i32_0 : i32, i32
  }
  func.func @transform_4(%arg0: i32) -> (i32, i32) {
    %c0_i32 = arith.constant 0 : i32
    %c0_i32_0 = arith.constant 0 : i32
    return %arg0, %c0_i32 : i32, i32
  }
}

</mosaic_0001>

<sc_bundles>
// kernel: kernel.10.cloned.1.call-start
scs
__scs_entry_jumppad:
0x0: {  	(pc) =	sbr.rel $0x88, $3  }
0x1: {  	(tag) =	ssettag $0x0;
	lr =	simm.s32 $0x1  }
0x2: {  	[smem:$0x3F99] =	sst lr;
	_ =	strace $0xD0000000  }
0x3: {  	_ = 	snop  }
0x4: {  	_ = 	snop  }
0x5: {  	_ = 	snop  }
0x6: {  	_ = 	snop  }
0x7: {  	_ = 	snop  }
__scs_overlays_trampoline_lowered:
0x8: {  	[smem:$0x3FA8] =	sst s0  }
0x9: {  	[smem:$0x3FA9] =	sst s1  }
0xa: {  	[smem:$0x3FAA] =	sst s2  }
0xb: {  	[smem:$0x3FAB] =	sst s3  }
0xc: {  	[smem:$0x3FAC] =	sst s4  }
0xd: {  	[smem:$0x3FAD] =	sst s5  }
0xe: {  	[smem:$0x3FAE] =	sst s6  }
0xf: {  	[smem:$0x3FAF] =	sst s7  }
0x10: {  	[smem:$0x3FB0] =	sst s8  }
0x11: {  	[smem:$0x3FB1] =	sst s9;
	s0 =	simm.s32 @!p0 $0x0  }
0x12: {  	s1 =	sld [smem:$0x3F97];
	s0 =	simm.s32 @p0 $0x1  }
0x13: {  	[smem:$0x3FB2] =	sst s0;
	s0 =	simm.s32 @!p1 $0x0  }
0x14: {  	s2 =	sld [smem:$0x3F96];
	s0 =	simm.s32 @p1 $0x1  }
0x15: {  	[smem:$0x3FB3] =	sst s0;
	s0 =	simm.s32 @!p2 $0x0  }
0x16: {  	s3 =	sld [smem:$0x3FDB];
	s0 =	simm.s32 @p2 $0x1  }
0x17: {  	s4 =	simm.s32 $0x1BF5;
	[smem:$0x3FB5] =	sst s0  }
0x18: {  	s0 =	sld [smem:$0x3F98];
	_ =	swait.ge [sflag:s4], $0x0  }
0x19: {  	s7 =	sld [smem:$0x3F99]  }
0x1a: {  	s8 =	sadd.s32 $0xFFFFE003, lr  }
0x1b: {  	s9 =	sadd.s32 $0xFFFFFEF7, lr;
	s5 =	simm.s32 $0xFFFFFFFF;
	p2 =	slt.u32 s8, $0xFFFFF086  }
0x1c: {  	p1 =	slt.u32 s9, $0xF7A;
	s5 =	simm.s32 @!p2 $0x0  }
0x1d: {  	s5 =	simm.s32 @p1 $0x1;
	p0 =	seq.s32 s7, s2  }
0x1e: {  	s7 =	smul.u32 @!p0 $0xF7A, s2;
	p2 =	seq.s32 @!p0 s5, $0x0  }
0x1f: {  	s9 =	smul.u32 $0xF7A, s1;
	s8 =	simm.s32 @!p0 $0x1BF5;
	p2 =	por !p2, p0  }
0x20: {  	[sflag:s8] =	ssyncset.s32 @!p0 $0xFFFFF086;
	s6 =	sadd.s32 @!p0 s3, s7;
	s7 =	simm.s32 @!p0 $0x108  }
0x21: {  	s3 =	sadd.s32 s3, s9;
	s6 =	sadd.s32 @!p0 $0x88, s6;
	s7 =	simm.s32 @p2 $0x1082  }
0x22: {  	[simem:s7], [sflag:s8] =	dma.local @!p0 [hbm:s6], $0xF7A  }
0x23: {  	s9 =	sor.u32 $0xD0000000, s2;
	s6 =	simm.s32 $0x108;
	_ =	swait.ge @!p0 [sflag:s8], $0x0  }
0x24: {  	s3 =	sadd.s32 $0x88, s3;
	s6 =	simm.s32 @!p1 $0x1082;
	[sflag:s4] =	ssyncset.s32 $0xFFFFF086  }
0x25: {  	[simem:s6], [sflag:s4] =	dma.local [hbm:s3], $0xF7A  }
0x26: {  	[smem:$0x3F99] =	sst s1;
	(tag) =	ssettag s2;
	_ =	strace s9  }
0x27: {  	s1 =	sld [smem:$0x3FA9]  }
0x28: {  	s2 =	sld [smem:$0x3FAA]  }
0x29: {  	s4 =	sld [smem:$0x3FAC]  }
0x2a: {  	p0 =	seq.s32 s5, $0x0;
	s5 =	sld [smem:$0x3FAD]  }
0x2b: {  	s6 =	sld [smem:$0x3FAE]  }
0x2c: {  	s7 =	sld [smem:$0x3FAF]  }
0x2d: {  	s3 =	simm.s32 $0x108;
	s8 =	sld [smem:$0x3FB0]  }
0x2e: {  	s3 =	simm.s32 @!p0 $0x1082;
	s9 =	sld [smem:$0x3FB1]  }
0x2f: {  	lr =	sadd.s32 s0, s3;
	s0 =	sld [smem:$0x3FA8]  }
0x30: {  	s3 =	sld [smem:$0x3FAB]  }
0x31: {  	[smem:$0x3FB4] =	sst s10  }
0x32: {  	s10 =	sld [smem:$0x3FB2];
	_ =	sdelay $0x3  }
0x33: {  	p0 =	seq.s32 s10, $0x1;
	s10 =	sld [smem:$0x3FB4];
	_ =	sdelay $0x3  }
0x34: {  	[smem:$0x3FB4] =	sst s10  }
0x35: {  	s10 =	sld [smem:$0x3FB3];
	_ =	sdelay $0x3  }
0x36: {  	p1 =	seq.s32 s10, $0x1;
	s10 =	sld [smem:$0x3FB4];
	_ =	sdelay $0x3  }
0x37: {  	[smem:$0x3FB4] =	sst s10  }
0x38: {  	s10 =	sld [smem:$0x3FB5]  }
0x39: {  	_ = 	snop;
	(pc) =	sbr.ind lr, $3  }
0x3a: {  	_ = 	snop  }
0x3b: {  	_ = 	snop  }
0x3c: {  	p2 =	seq.s32 s10, $0x1;
	s10 =	sld [smem:$0x3FB4]  }
0x3d: {  	_ =	shalt  }
0x3e: {  	_ =	shalt  }
0x3f: {  	_ =	shalt  }
0x40: {  	_ =	shalt  }
0x41: {  	_ =	shalt  }
0x42: {  	_ =	shalt  }
0x43: {  	_ =	shalt  }
0x44: {  	_ =	shalt  }
0x45: {  	_ =	shalt  }
0x46: {  	_ =	shalt  }
0x47: {  	_ =	shalt  }
0x48: {  	_ =	shalt  }
0x49: {  	_ =	shalt  }
0x4a: {  	_ =	shalt  }
0x4b: {  	_ =	shalt  }
0x4c: {  	_ =	shalt  }
0x4d: {  	_ =	shalt  }
0x4e: {  	_ =	shalt  }
0x4f: {  	_ =	shalt  }
0x50: {  	_ =	shalt  }
0x51: {  	_ =	shalt  }
0x52: {  	_ =	shalt  }
0x53: {  	_ =	shalt  }
0x54: {  	_ =	shalt  }
0x55: {  	_ =	shalt  }
0x56: {  	_ =	shalt  }
0x57: {  	_ =	shalt  }
0x58: {  	_ =	shalt  }
0x59: {  	_ =	shalt  }
0x5a: {  	_ =	shalt  }
0x5b: {  	_ =	shalt  }
0x5c: {  	_ =	shalt  }
0x5d: {  	_ =	shalt  }
0x5e: {  	_ =	shalt  }
0x5f: {  	_ =	shalt  }
0x60: {  	_ =	shalt  }
0x61: {  	_ =	shalt  }
0x62: {  	_ =	shalt  }
0x63: {  	_ =	shalt  }
0x64: {  	_ =	shalt  }
0x65: {  	_ =	shalt  }
0x66: {  	_ =	shalt  }
0x67: {  	_ =	shalt  }
0x68: {  	_ =	shalt  }
0x69: {  	_ =	shalt  }
0x6a: {  	_ =	shalt  }
0x6b: {  	_ =	shalt  }
0x6c: {  	_ =	shalt  }
0x6d: {  	_ =	shalt  }
0x6e: {  	_ =	shalt  }
0x6f: {  	_ =	shalt  }
0x70: {  	_ =	shalt  }
0x71: {  	_ =	shalt  }
0x72: {  	_ =	shalt  }
0x73: {  	_ =	shalt  }
0x74: {  	_ =	shalt  }
0x75: {  	_ =	shalt  }
0x76: {  	_ =	shalt  }
0x77: {  	_ =	shalt  }
0x78: {  	_ =	shalt  }
0x79: {  	_ =	shalt  }
0x7a: {  	_ =	shalt  }
0x7b: {  	_ =	shalt  }
0x7c: {  	_ =	shalt  }
0x7d: {  	_ =	shalt  }
0x7e: {  	_ =	shalt  }
0x7f: {  	_ =	shalt  }
0x80: {  	_ =	shalt  }
0x81: {  	_ =	shalt  }
0x82: {  	_ =	shalt  }
0x83: {  	_ =	shalt  }
0x84: {  	_ =	shalt  }
0x85: {  	_ =	shalt  }
0x86: {  	_ =	shalt  }
0x87: {  	_ =	shalt  }
.Lfunc_end0:
.L_simem_size_0:
called_computation_lowered:
.L_overlay_start_0:
0x88: {  	s2 =	sld [smem:$0x3FD9]  }
0x89: {  	s3 =	sld [smem:$0x3FFE];
	_ =	sdelay $0x1  }
0x8a: {  	s1 =	srdreg.scid  }
0x8b: {  	s0 =	sand.u32 $0x1, s1  }
0x8c: {  	s17 =	sshll.u32 s0, $0xA;
	s2 =	sadd.s32 s3, s2  }
0x8d: {  	s2 =	sadd.s32 s2, s17  }
0x8e: {  	[smem:$0x3FC0] =	sst s2  }
0x8f: {  	_ = 	snop  }
0x90: {  	s2 =	sld [smem:$0x3FD0];
	(tm) =	ssettm $0x1  }
0x91: {  	s18 =	sld [smem:$0x3FFB];
	_ =	sdelay $0x3  }
0x92: {  	_ =	strace s18  }
0x93: {  	s3 =	sld [smem:$0x3FFC];
	_ =	sdelay $0x3  }
0x94: {  	_ =	strace s3  }
0x95: {  	s3 =	sld [smem:$0x3FFD];
	_ =	sdelay $0x3  }
0x96: {  	_ =	strace s3  }
0x97: {  	_ =	strace $0x8FFFFFFF  }
0x98: {  	s19 =	sld [smem:$0x3FDB];
	_ =	sdelay $0x1  }
0x99: {  	s4 =	simm.s32 $_scs_section_size  }
0x9a: {  	s5 =	simm.s32 $_size__tile_overlayer_lowered;
	s6 =	simm.s32 $_tile_overlayer_lowered  }
0x9b: {  	s22 =	simm.s32 $0x1BFF;
	s21 =	sshll.u32 s6, $0x1;
	s3 =	sadd.s32 s4, s19  }
0x9c: {  	s7 =	simm.s32 $0x0;
	s20 =	sshll.u32 s5, $0x1;
	s5 =	sadd.s32 s21, s3  }
0x9d: {  	[timem:s7], [sflag:s22] =	dma.local [hbm:s5], s20  }
0x9e: {  	_ =	swait.ge [sflag:s22], s20  }
0x9f: {  	s4 =	ssub.s32 $0x0, s20;
	[sflag:s22] =	ssyncset.done $0x0  }
0xa0: {  	[sflag:s22] =	ssyncadd.s32 s4;
	_ =	sdelay $0x1  }
0xa1: {  	s23 =	simm.s32 $0x1B8B  }
0xa2: {  	_ =	swait.ge [sflag:s23], $0x1  }
0xa3: {  	[sflag:s23] =	ssyncset.done $0x0  }
0xa4: {  	s25 =	simm.s32 $0x1B8E;
	s24 =	sld [smem:$0x3FFE];
	[sflag:s23] =	ssyncadd.s32 $0xFFFFFFFF  }
0xa5: {  	s26 =	simm.s32 $execute0_lowered;
	[smem:$0x3FD2] =	sst s25  }
0xa6: {  	s5 =	sshll.u32 s26, $0x1;
	_ =	strace $0x80000046;
	[dreg:$0x1] =	wrdreg $0xFFFFFFFF  }
0xa7: {  	s28 =	simm.s32 $_size_execute0_lowered;
	s3 =	sadd.s32 s3, s5;
	[dreg:$0x0] =	wrdreg $0x0  }
0xa8: {  	s5 =	sshll.u32 s28, $0x1;
	[dreg:$0x2] =	wrdreg s3  }
0xa9: {  	[dreg:$0x3] =	wrdreg s5  }
0xaa: {  	[dreg:$0x4] =	wrdreg $0xC0  }
0xab: {  	_ =	task [dreg:s7], $0x5FFFF  }
0xac: {  	[dreg:$0x1] =	wrdreg $0xFFFFFFFF  }
0xad: {  	[dreg:$0x0] =	wrdreg $0x60  }
0xae: {  	[dreg:$0x2] =	wrdreg s24  }
0xaf: {  	[dreg:$0x3] =	wrdreg s2  }
0xb0: {  	[dreg:$0x4] =	wrdreg $0x2C000  }
0xb1: {  	[dreg:$0x5] =	wrdreg $0x9  }
0xb2: {  	_ =	task.clear_ibuf [dreg:s7], $0x6FFFF;
	_ =	strace $0x90000046  }
0xb3: {  	s29 =	simm.s32 $0x9;
	_ =	strace $0x80000048  }
0xb4: {  	_ =	swait.ge [sflag:s29], $0x1  }
0xb5: {  	[sflag:s29] =	ssyncadd.s32 $0xFFFFFFFF  }
0xb6: {  	_ =	strace $0x90000048  }
0xb7: {  	_ =	sfence  }
0xb8: {  	s30 =	sld [smem:$0x0];
	_ =	sdelay $0x2  }
0xb9: {  	s31 =	sshll.u32 s1, $0xD;
	s1 =	sshrl.u32 s1, $0x2  }
0xba: {  	s3 =	sand.u32 $0x4000, s31;
	s1 =	sadd.s32 s1, s30  }
0xbb: {  	s0 =	sor.u32 s3, s0;
	s1 =	sshll.u32 s1, $0x11  }
0xbc: {  	s0 =	sor.u32 s1, s0  }
0xbd: {  	s0 =	sadd.s32 $0x8F2B, s0  }
0xbe: {  	[sflag:s0] =	ssyncadd.remote.s32 $0x1  }
0xbf: {  	_ =	sfence.sel $0xFFFF  }
0xc0: {  	[dreg:$0x0] =	wrdreg $0xFFFFFFFF;
	(pc) =	sbr.abs _section_cstart, $3  }
0xc1: {  	[dreg:$0x1] =	wrdreg $0xFFFFFFFF  }
0xc2: {  	_ =	task.clear_ibuf [dreg:s7], $0x2FFFF;
	_ =	strace $0x9FFFFFFF  }
0xc3: {  	(tm) =	ssettm $0x7FFFFFFF  }
tec
execute0_lowered:
.L_overlay_start_1:
0x0: {  	(tag) =	ssettag $0x1  }
0x1: {  	s6 =	rddreg [dreg:$0x0]  }
0x2: {  	s1 =	srdreg.scid;
	s0 =	stileid.u32  }
0x3: {  	s2 =	rddreg [dreg:$0x1];
	s9 =	smul.u32 $0x18700, s0  }
0x4: {  	s3 =	rddreg [dreg:$0x2];
	s4 =	simm.s32 $0x0;
	s10 =	smul.u32 $0x50, s0  }
0x5: {  	s17 =	simm.s32 $0x1;
	s18 =	simm.s32 $0x271;
	s15 =	smul.u32 $0xC580, s0  }
0x6: {  	s19 =	simm.s32 $0x2;
	s8 =	sand.u32 $0x1, s1;
	s29 =	smul.u32 $0x18B0, s0  }
0x7: {  	s20 =	simm.s32 $0x0;
	s1 =	rddreg [dreg:$0x3];
	s5 =	smul.u32 $0x187000, s8  }
0x8: {  	[smem:$0x7FF] =	sst s4;
	s11 =	sadd.s32 $0x800, s6;
	s7 =	smul.u32 $0x500, s8  }
0x9: {  	s31 =	sshll.u32 s0, $0x6;
	s25 =	ssub.s32 $0x2, s8;
	s14 =	smul.u32 $0xC5800, s8  }
0xa: {  	_ =	strace $0x80000047;
	s26 =	smul.u32 $0x18B00, s8;
	s13 =	sshrl.u32 s25, $0x1  }
0xb: {  	s16 =	sadd.s32 s9, s3;
	s12 =	sadd.s32 s9, s5;
	s7 =	sadd.s32 s10, s7  }
0xc: {  	s5 =	sadd.s32 $0x31E00, s6;
	s13 =	ssub.s32 s25, s13;
	s28 =	sadd.s32 s15, s14  }
0xd: {  	s14 =	simm.s32 $0x3;
	s15 =	sor.u32 $0x1C03, s31;
	s24 =	smul.u32 $0x278, s7  }
0xe: {  	s16 =	sshrl.u32 s16, $0x3;
	s23 =	sshrl.u32 s12, $0x3;
	s7 =	smul.u32 $0x4F, s7  }
0xf: {  	s30 =	sadd.s32 $0x768, s28;
	s9 =	smax.u32 s13, $0x1;
	s12 =	sadd.s32 $0x278, s24  }
0x10: {  	s13 =	simm.s32 $0x4F0;
	s10 =	sadd.s32 s23, s6;
	s12 =	sshrl.u32 s12, $0x3  }
0x11: {  	s6 =	sadd.s32 s11, s7;
	s7 =	sadd.s32 s11, s12;
	s12 =	sadd.s32 s26, s11  }
0x12: {  	s8 =	sadd.s32 $0x32400, s10;
	s10 =	sshrl.u32 s30, $0x3;
	s12 =	sadd.s32 s29, s12  }
0x13: {  	s10 =	sadd.s32 s10, s11;
	s11 =	sadd.s32 $0x9E, s12;
	s12 =	simm.s32 $0x278  }
.LBB2_1:
0x14: {  	[tilespmem:s4], [sflag:$0x1] =	stream.linear.gather [hbm4b:s6+s4], $0x278, $0x38;
	[tilespmem:$0x1B300] =	vst v63  }
0x15: {  	_ = 	snop  }
0x16: {  	[tilespmem:s12], [sflag:$0x2] =	stream.linear.gather [hbm4b:s7+s4], $0x278, $0x38;
	[tilespmem:$0x1B300] =	vst v63  }
0x17: {  	_ = 	snop  }
0x18: {  	[tilespmem:s13], [sflag:$0x3] =	stream.linear.gather [hbm4b:s5+s4], $0x2710, $0x38;
	[tilespmem:$0x1B300] =	vst v63  }
0x19: {  	_ =	swait.ge [sflag:s14], $0x2710  }
0x1a: {  	[sflag:s14] =	ssyncset.done $0x0  }
0x1b: {  	[sflag:s14] =	ssyncadd.s32 $0xFFFFD8F0  }
0x1c: {  	[spmem:s16], [sflag:s15] =	dma.local [hbm:s2], $0x30E0  }
0x1d: {  	_ =	swait.ge [sflag:s14], $0x30E0  }
0x1e: {  	[sflag:s14] =	ssyncset.done $0x0  }
0x1f: {  	[sflag:s14] =	ssyncadd.s32 $0xFFFFCF20  }
0x20: {  	[bflag:$0x0] =	sbarrier.arrive $0xFFFF  }
0x21: {  	_ =	swait.ge [sflag:s17], $0x278  }
0x22: {  	[sflag:s17] =	ssyncset.done $0x0  }
0x23: {  	[sflag:s17] =	ssyncadd.s32 $0xFFFFFD88  }
0x24: {  	[spmem:s3] =	stream.indirect.scatter.add.f32 [tilespmem:s13], [sflag:$0x3], $0x10, s4, s18, $0xb8;
	[tilespmem:$0x1B300] =	vst v63  }
0x25: {  	_ =	swait.ge [sflag:s14], $0x2710  }
0x26: {  	[sflag:s14] =	ssyncset.done $0x0  }
0x27: {  	s21 =	sadd.s32 $0x0, s11;
	[sflag:s14] =	ssyncadd.s32 $0xFFFFD8F0  }
0x28: {  	[tilespmem:s4], [sflag:$0x1] =	stream.linear.gather [hbm4b:s21+s4], $0x278, $0x38;
	[tilespmem:$0x1B300] =	vst v63  }
0x29: {  	_ =	swait.ge [sflag:s19], $0x278  }
0x2a: {  	[sflag:s19] =	ssyncset.done $0x0  }
0x2b: {  	[sflag:s19] =	ssyncadd.s32 $0xFFFFFD88  }
0x2c: {  	[spmem:s3] =	stream.indirect.scatter.add.f32 [tilespmem:s13], [sflag:$0x3], $0x10, s12, s18, $0xb8;
	[tilespmem:$0x1B300] =	vst v63  }
0x2d: {  	_ =	swait.ge [sflag:s14], $0x2710  }
0x2e: {  	[sflag:s14] =	ssyncset.done $0x0  }
0x2f: {  	s22 =	sadd.s32 $0x0, s10;
	s21 =	simm.s32 $0x9E;
	[sflag:s14] =	ssyncadd.s32 $0xFFFFD8F0  }
.LBB2_2:
0x30: {  	[tilespmem:s12], [sflag:$0x2] =	stream.linear.gather [hbm4b:s22+s4], $0x278, $0x38;
	[tilespmem:$0x1B300] =	vst v63  }
0x31: {  	s22 =	smov.u32 s21  }
0x32: {  	p0 =	sne.s32 s21, $0x1774;
	s21 =	sadd.s32 $0x9E, s21;
	_ =	swait.ge [sflag:s17], $0x278  }
0x33: {  	[sflag:s17] =	ssyncset.done $0x0  }
0x34: {  	[sflag:s17] =	ssyncadd.s32 $0xFFFFFD88  }
0x35: {  	[spmem:s3] =	stream.indirect.scatter.add.f32 [tilespmem:s13], [sflag:$0x3], $0x10, s4, s18, $0xb8;
	[tilespmem:$0x1B300] =	vst v63  }
0x36: {  	_ =	swait.ge [sflag:s14], $0x2710  }
0x37: {  	[sflag:s14] =	ssyncset.done $0x0  }
0x38: {  	s23 =	sadd.s32 s22, s11;
	[sflag:s14] =	ssyncadd.s32 $0xFFFFD8F0  }
0x39: {  	[tilespmem:s4], [sflag:$0x1] =	stream.linear.gather [hbm4b:s23+s4], $0x278, $0x38;
	[tilespmem:$0x1B300] =	vst v63  }
0x3a: {  	_ =	swait.ge [sflag:s19], $0x278  }
0x3b: {  	[sflag:s19] =	ssyncset.done $0x0  }
.Ltmp0:
0x3c: {  	[sflag:s19] =	ssyncadd.s32 $0xFFFFFD88;
	(pc) =	sbr.rel @p0 .LBB2_2-.Ltmp0, $4  }
0x3d: {  	[spmem:s3] =	stream.indirect.scatter.add.f32 [tilespmem:s13], [sflag:$0x3], $0x10, s12, s18, $0xb8;
	[tilespmem:$0x1B300] =	vst v63  }
0x3e: {  	_ =	swait.ge [sflag:s14], $0x2710  }
0x3f: {  	[sflag:s14] =	ssyncset.done $0x0  }
0x40: {  	s22 =	sadd.s32 s22, s10;
	[sflag:s14] =	ssyncadd.s32 $0xFFFFD8F0  }
0x41: {  	[tilespmem:s12], [sflag:$0x2] =	stream.linear.gather [hbm4b:s22+s4], $0x278, $0x38;
	[tilespmem:$0x1B300] =	vst v63  }
0x42: {  	_ =	swait.ge [sflag:s17], $0x278  }
0x43: {  	[sflag:s17] =	ssyncset.done $0x0  }
0x44: {  	[sflag:s17] =	ssyncadd.s32 $0xFFFFFD88  }
0x45: {  	[spmem:s3] =	stream.indirect.scatter.add.f32 [tilespmem:s13], [sflag:$0x3], $0x10, s4, s18, $0xb8;
	[tilespmem:$0x1B300] =	vst v63  }
0x46: {  	_ =	swait.ge [sflag:s14], $0x2710  }
0x47: {  	[sflag:s14] =	ssyncset.done $0x0  }
0x48: {  	[sflag:s14] =	ssyncadd.s32 $0xFFFFD8F0  }
0x49: {  	_ =	swait.ge [sflag:s19], $0x278  }
0x4a: {  	[sflag:s19] =	ssyncset.done $0x0  }
0x4b: {  	[sflag:s19] =	ssyncadd.s32 $0xFFFFFD88  }
0x4c: {  	[spmem:s3] =	stream.indirect.scatter.add.f32 [tilespmem:s13], [sflag:$0x3], $0x10, s12, s18, $0xb8;
	[tilespmem:$0x1B300] =	vst v63  }
0x4d: {  	_ =	swait.ge [sflag:s14], $0x2710  }
0x4e: {  	s20 =	sadd.s32 $0x1, s20;
	[sflag:s14] =	ssyncset.done $0x0  }
0x4f: {  	p0 =	sne.s32 s20, s9;
	[sflag:s14] =	ssyncadd.s32 $0xFFFFD8F0  }
.Ltmp1:
0x50: {  	[bflag:$0x0] =	sbarrier.arrive $0xFFFF;
	(pc) =	sbr.rel @p0 .LBB2_1-.Ltmp1, $4  }
0x51: {  	[hbm:s8], [sflag:s15] =	dma.local [spmem:s16], $0x30E0  }
0x52: {  	_ =	swait.ge [sflag:s14], $0x30E0  }
0x53: {  	[sflag:s14] =	ssyncset.done $0x0  }
0x54: {  	[sflag:s14] =	ssyncadd.s32 $0xFFFFCF20  }
0x55: {  	_ =	sfence.sel $0x180000  }
0x56: {  	[bflag:$0x0] =	sbarrier.arrive $0xFFFF  }
0x57: {  	p0 =	sne.s32 s0, $0x0;
	_ =	strace $0x90000047  }
0x58: {  	s0 =	sadd.s32 @!p0 $0x100000, s1;
	[bflag:$0x2] =	sbarrier.arrive $0xFFFF  }
0x59: {  	[sflag:s0] =	ssyncadd.tile.s32 @!p0 $0x1;
	_ =	shalt  }
.Lfunc_end2:
_tile_overlayer_lowered:
.L_overlay_start_2:
0x5a: {  	(tag) =	ssettag $0x2  }
0x5b: {  	s0 =	rddreg [dreg:$0x0];
	s2 =	stileid.u32  }
0x5c: {  	s1 =	rddreg [dreg:$0x1];
	p0 =	sne.s32 s2, $0x0  }
0x5d: {  	s3 =	rddreg [dreg:$0x2];
	[bflag:$0x3] =	sbarrier.arrive $0xFFFF;
	s2 =	simm.s32 @!p0 $0x1C03  }
0x5e: {  	[timem:s3], [sflag:s2] =	dma.local @!p0 [hbm:s0], s1  }
0x5f: {  	s0 =	simm.s32 @!p0 $0x3  }
0x60: {  	_ =	swait.ge @!p0 [sflag:s0], s1  }
0x61: {  	s1 =	ssub.s32 @!p0 $0x0, s1;
	[sflag:s0] =	ssyncset.done @!p0 $0x0  }
0x62: {  	[sflag:s0] =	ssyncadd.s32 @!p0 s1  }
0x63: {  	[bflag:$0x3] =	sbarrier.arrive $0xFFFF  }
0x64: {  	_ =	shalt  }

// kernel: kernel.13.cloned.1.call-start
scs
__scs_entry_jumppad:
0x0: {  	(pc) =	sbr.rel $0x88, $3  }
0x1: {  	(tag) =	ssettag $0x0;
	lr =	simm.s32 $0x1  }
0x2: {  	[smem:$0x3F99] =	sst lr;
	_ =	strace $0xD0000000  }
0x3: {  	_ = 	snop  }
0x4: {  	_ = 	snop  }
0x5: {  	_ = 	snop  }
0x6: {  	_ = 	snop  }
0x7: {  	_ = 	snop  }
__scs_overlays_trampoline_lowered:
0x8: {  	[smem:$0x3FA8] =	sst s0  }
0x9: {  	[smem:$0x3FA9] =	sst s1  }
0xa: {  	[smem:$0x3FAA] =	sst s2  }
0xb: {  	[smem:$0x3FAB] =	sst s3  }
0xc: {  	[smem:$0x3FAC] =	sst s4  }
0xd: {  	[smem:$0x3FAD] =	sst s5  }
0xe: {  	[smem:$0x3FAE] =	sst s6  }
0xf: {  	[smem:$0x3FAF] =	sst s7  }
0x10: {  	[smem:$0x3FB0] =	sst s8  }
0x11: {  	[smem:$0x3FB1] =	sst s9;
	s0 =	simm.s32 @!p0 $0x0  }
0x12: {  	s1 =	sld [smem:$0x3F97];
	s0 =	simm.s32 @p0 $0x1  }
0x13: {  	[smem:$0x3FB2] =	sst s0;
	s0 =	simm.s32 @!p1 $0x0  }
0x14: {  	s2 =	sld [smem:$0x3F96];
	s0 =	simm.s32 @p1 $0x1  }
0x15: {  	[smem:$0x3FB3] =	sst s0;
	s0 =	simm.s32 @!p2 $0x0  }
0x16: {  	s3 =	sld [smem:$0x3FDB];
	s0 =	simm.s32 @p2 $0x1  }
0x17: {  	s4 =	simm.s32 $0x1BF5;
	[smem:$0x3FB5] =	sst s0  }
0x18: {  	s0 =	sld [smem:$0x3F98];
	_ =	swait.ge [sflag:s4], $0x0  }
0x19: {  	s7 =	sld [smem:$0x3F99]  }
0x1a: {  	s8 =	sadd.s32 $0xFFFFE003, lr  }
0x1b: {  	s9 =	sadd.s32 $0xFFFFFEF7, lr;
	s5 =	simm.s32 $0xFFFFFFFF;
	p2 =	slt.u32 s8, $0xFFFFF086  }
0x1c: {  	p1 =	slt.u32 s9, $0xF7A;
	s5 =	simm.s32 @!p2 $0x0  }
0x1d: {  	s5 =	simm.s32 @p1 $0x1;
	p0 =	seq.s32 s7, s2  }
0x1e: {  	s7 =	smul.u32 @!p0 $0xF7A, s2;
	p2 =	seq.s32 @!p0 s5, $0x0  }
0x1f: {  	s9 =	smul.u32 $0xF7A, s1;
	s8 =	simm.s32 @!p0 $0x1BF5;
	p2 =	por !p2, p0  }
0x20: {  	[sflag:s8] =	ssyncset.s32 @!p0 $0xFFFFF086;
	s6 =	sadd.s32 @!p0 s3, s7;
	s7 =	simm.s32 @!p0 $0x108  }
0x21: {  	s3 =	sadd.s32 s3, s9;
	s6 =	sadd.s32 @!p0 $0x88, s6;
	s7 =	simm.s32 @p2 $0x1082  }
0x22: {  	[simem:s7], [sflag:s8] =	dma.local @!p0 [hbm:s6], $0xF7A  }
0x23: {  	s9 =	sor.u32 $0xD0000000, s2;
	s6 =	simm.s32 $0x108;
	_ =	swait.ge @!p0 [sflag:s8], $0x0  }
0x24: {  	s3 =	sadd.s32 $0x88, s3;
	s6 =	simm.s32 @!p1 $0x1082;
	[sflag:s4] =	ssyncset.s32 $0xFFFFF086  }
0x25: {  	[simem:s6], [sflag:s4] =	dma.local [hbm:s3], $0xF7A  }
0x26: {  	[smem:$0x3F99] =	sst s1;
	(tag) =	ssettag s2;
	_ =	strace s9  }
0x27: {  	s1 =	sld [smem:$0x3FA9]  }
0x28: {  	s2 =	sld [smem:$0x3FAA]  }
0x29: {  	s4 =	sld [smem:$0x3FAC]  }
0x2a: {  	p0 =	seq.s32 s5, $0x0;
	s5 =	sld [smem:$0x3FAD]  }
0x2b: {  	s6 =	sld [smem:$0x3FAE]  }
0x2c: {  	s7 =	sld [smem:$0x3FAF]  }
0x2d: {  	s3 =	simm.s32 $0x108;
	s8 =	sld [smem:$0x3FB0]  }
0x2e: {  	s3 =	simm.s32 @!p0 $0x1082;
	s9 =	sld [smem:$0x3FB1]  }
0x2f: {  	lr =	sadd.s32 s0, s3;
	s0 =	sld [smem:$0x3FA8]  }
0x30: {  	s3 =	sld [smem:$0x3FAB]  }
0x31: {  	[smem:$0x3FB4] =	sst s10  }
0x32: {  	s10 =	sld [smem:$0x3FB2];
	_ =	sdelay $0x3  }
0x33: {  	p0 =	seq.s32 s10, $0x1;
	s10 =	sld [smem:$0x3FB4];
	_ =	sdelay $0x3  }
0x34: {  	[smem:$0x3FB4] =	sst s10  }
0x35: {  	s10 =	sld [smem:$0x3FB3];
	_ =	sdelay $0x3  }
0x36: {  	p1 =	seq.s32 s10, $0x1;
	s10 =	sld [smem:$0x3FB4];
	_ =	sdelay $0x3  }
0x37: {  	[smem:$0x3FB4] =	sst s10  }
0x38: {  	s10 =	sld [smem:$0x3FB5]  }
0x39: {  	_ = 	snop;
	(pc) =	sbr.ind lr, $3  }
0x3a: {  	_ = 	snop  }
0x3b: {  	_ = 	snop  }
0x3c: {  	p2 =	seq.s32 s10, $0x1;
	s10 =	sld [smem:$0x3FB4]  }
0x3d: {  	_ =	shalt  }
0x3e: {  	_ =	shalt  }
0x3f: {  	_ =	shalt  }
0x40: {  	_ =	shalt  }
0x41: {  	_ =	shalt  }
0x42: {  	_ =	shalt  }
0x43: {  	_ =	shalt  }
0x44: {  	_ =	shalt  }
0x45: {  	_ =	shalt  }
0x46: {  	_ =	shalt  }
0x47: {  	_ =	shalt  }
0x48: {  	_ =	shalt  }
0x49: {  	_ =	shalt  }
0x4a: {  	_ =	shalt  }
0x4b: {  	_ =	shalt  }
0x4c: {  	_ =	shalt  }
0x4d: {  	_ =	shalt  }
0x4e: {  	_ =	shalt  }
0x4f: {  	_ =	shalt  }
0x50: {  	_ =	shalt  }
0x51: {  	_ =	shalt  }
0x52: {  	_ =	shalt  }
0x53: {  	_ =	shalt  }
0x54: {  	_ =	shalt  }
0x55: {  	_ =	shalt  }
0x56: {  	_ =	shalt  }
0x57: {  	_ =	shalt  }
0x58: {  	_ =	shalt  }
0x59: {  	_ =	shalt  }
0x5a: {  	_ =	shalt  }
0x5b: {  	_ =	shalt  }
0x5c: {  	_ =	shalt  }
0x5d: {  	_ =	shalt  }
0x5e: {  	_ =	shalt  }
0x5f: {  	_ =	shalt  }
0x60: {  	_ =	shalt  }
0x61: {  	_ =	shalt  }
0x62: {  	_ =	shalt  }
0x63: {  	_ =	shalt  }
0x64: {  	_ =	shalt  }
0x65: {  	_ =	shalt  }
0x66: {  	_ =	shalt  }
0x67: {  	_ =	shalt  }
0x68: {  	_ =	shalt  }
0x69: {  	_ =	shalt  }
0x6a: {  	_ =	shalt  }
0x6b: {  	_ =	shalt  }
0x6c: {  	_ =	shalt  }
0x6d: {  	_ =	shalt  }
0x6e: {  	_ =	shalt  }
0x6f: {  	_ =	shalt  }
0x70: {  	_ =	shalt  }
0x71: {  	_ =	shalt  }
0x72: {  	_ =	shalt  }
0x73: {  	_ =	shalt  }
0x74: {  	_ =	shalt  }
0x75: {  	_ =	shalt  }
0x76: {  	_ =	shalt  }
0x77: {  	_ =	shalt  }
0x78: {  	_ =	shalt  }
0x79: {  	_ =	shalt  }
0x7a: {  	_ =	shalt  }
0x7b: {  	_ =	shalt  }
0x7c: {  	_ =	shalt  }
0x7d: {  	_ =	shalt  }
0x7e: {  	_ =	shalt  }
0x7f: {  	_ =	shalt  }
0x80: {  	_ =	shalt  }
0x81: {  	_ =	shalt  }
0x82: {  	_ =	shalt  }
0x83: {  	_ =	shalt  }
0x84: {  	_ =	shalt  }
0x85: {  	_ =	shalt  }
0x86: {  	_ =	shalt  }
0x87: {  	_ =	shalt  }
.Lfunc_end0:
.L_simem_size_0:
called_computation.1_lowered:
.L_overlay_start_0:
0x88: {  	s2 =	sld [smem:$0x3FD9]  }
0x89: {  	s3 =	sld [smem:$0x3FFE];
	_ =	sdelay $0x1  }
0x8a: {  	s1 =	srdreg.scid  }
0x8b: {  	s0 =	sand.u32 $0x1, s1  }
0x8c: {  	s17 =	sshll.u32 s0, $0xA;
	s2 =	sadd.s32 s3, s2  }
0x8d: {  	s2 =	sadd.s32 s2, s17  }
0x8e: {  	[smem:$0x3FC0] =	sst s2  }
0x8f: {  	_ = 	snop  }
0x90: {  	s2 =	sld [smem:$0x3FD0];
	(tm) =	ssettm $0x1  }
0x91: {  	s18 =	sld [smem:$0x3FFB];
	_ =	sdelay $0x3  }
0x92: {  	_ =	strace s18  }
0x93: {  	s3 =	sld [smem:$0x3FFC];
	_ =	sdelay $0x3  }
0x94: {  	_ =	strace s3  }
0x95: {  	s3 =	sld [smem:$0x3FFD];
	_ =	sdelay $0x3  }
0x96: {  	_ =	strace s3  }
0x97: {  	_ =	strace $0x8FFFFFFF  }
0x98: {  	s19 =	sld [smem:$0x3FDB];
	_ =	sdelay $0x1  }
0x99: {  	s4 =	simm.s32 $_scs_section_size  }
0x9a: {  	s5 =	simm.s32 $_size__tile_overlayer_lowered;
	s6 =	simm.s32 $_tile_overlayer_lowered  }
0x9b: {  	s22 =	simm.s32 $0x1BFF;
	s21 =	sshll.u32 s6, $0x1;
	s3 =	sadd.s32 s4, s19  }
0x9c: {  	s7 =	simm.s32 $0x0;
	s20 =	sshll.u32 s5, $0x1;
	s5 =	sadd.s32 s21, s3  }
0x9d: {  	[timem:s7], [sflag:s22] =	dma.local [hbm:s5], s20  }
0x9e: {  	_ =	swait.ge [sflag:s22], s20  }
0x9f: {  	s4 =	ssub.s32 $0x0, s20;
	[sflag:s22] =	ssyncset.done $0x0  }
0xa0: {  	[sflag:s22] =	ssyncadd.s32 s4;
	_ =	sdelay $0x1  }
0xa1: {  	s23 =	simm.s32 $0x1B8B  }
0xa2: {  	_ =	swait.ge [sflag:s23], $0x1  }
0xa3: {  	[sflag:s23] =	ssyncset.done $0x0  }
0xa4: {  	s25 =	simm.s32 $0x1B8E;
	s24 =	sld [smem:$0x3FFE];
	[sflag:s23] =	ssyncadd.s32 $0xFFFFFFFF  }
0xa5: {  	s26 =	simm.s32 $execute0_lowered;
	[smem:$0x3FD2] =	sst s25  }
0xa6: {  	s5 =	sshll.u32 s26, $0x1;
	_ =	strace $0x80000049;
	[dreg:$0x1] =	wrdreg $0xFFFFFFFF  }
0xa7: {  	s28 =	simm.s32 $_size_execute0_lowered;
	s3 =	sadd.s32 s3, s5;
	[dreg:$0x0] =	wrdreg $0x0  }
0xa8: {  	s5 =	sshll.u32 s28, $0x1;
	[dreg:$0x2] =	wrdreg s3  }
0xa9: {  	[dreg:$0x3] =	wrdreg s5  }
0xaa: {  	[dreg:$0x4] =	wrdreg $0xC0  }
0xab: {  	_ =	task [dreg:s7], $0x5FFFF  }
0xac: {  	[dreg:$0x1] =	wrdreg $0xFFFFFFFF  }
0xad: {  	[dreg:$0x0] =	wrdreg $0x60  }
0xae: {  	[dreg:$0x2] =	wrdreg s24  }
0xaf: {  	[dreg:$0x3] =	wrdreg s2  }
0xb0: {  	[dreg:$0x4] =	wrdreg $0x58000  }
0xb1: {  	[dreg:$0x5] =	wrdreg $0x9  }
0xb2: {  	_ =	task.clear_ibuf [dreg:s7], $0x6FFFF;
	_ =	strace $0x90000049  }
0xb3: {  	s29 =	simm.s32 $0x9;
	_ =	strace $0x8000004B  }
0xb4: {  	_ =	swait.ge [sflag:s29], $0x1  }
0xb5: {  	[sflag:s29] =	ssyncadd.s32 $0xFFFFFFFF  }
0xb6: {  	_ =	strace $0x9000004B  }
0xb7: {  	_ =	sfence  }
0xb8: {  	s30 =	sld [smem:$0x0];
	_ =	sdelay $0x2  }
0xb9: {  	s31 =	sshll.u32 s1, $0xD;
	s1 =	sshrl.u32 s1, $0x2  }
0xba: {  	s3 =	sand.u32 $0x4000, s31;
	s1 =	sadd.s32 s1, s30  }
0xbb: {  	s0 =	sor.u32 s3, s0;
	s1 =	sshll.u32 s1, $0x11  }
0xbc: {  	s0 =	sor.u32 s1, s0  }
0xbd: {  	s0 =	sadd.s32 $0x8F2B, s0  }
0xbe: {  	[sflag:s0] =	ssyncadd.remote.s32 $0x1  }
0xbf: {  	_ =	sfence.sel $0xFFFF  }
0xc0: {  	[dreg:$0x0] =	wrdreg $0xFFFFFFFF;
	(pc) =	sbr.abs _section_cstart, $3  }
0xc1: {  	[dreg:$0x1] =	wrdreg $0xFFFFFFFF  }
0xc2: {  	_ =	task.clear_ibuf [dreg:s7], $0x2FFFF;
	_ =	strace $0x9FFFFFFF  }
0xc3: {  	(tm) =	ssettm $0x7FFFFFFF  }
tec
execute0_lowered:
.L_overlay_start_1:
0x0: {  	(tag) =	ssettag $0x1  }
0x1: {  	s5 =	rddreg [dreg:$0x0]  }
0x2: {  	s1 =	rddreg [dreg:$0x1];
	s0 =	srdreg.scid  }
0x3: {  	s3 =	rddreg [dreg:$0x2];
	s2 =	stileid.u32;
	s4 =	simm.s32 $0x0  }
0x4: {  	s15 =	simm.s32 $0x768;
	s17 =	simm.s32 $0x4;
	s18 =	simm.s32 $0x1  }
0x5: {  	s19 =	simm.s32 $0x271;
	s20 =	simm.s32 $0x9E0;
	s21 =	simm.s32 $0x3  }
0x6: {  	s22 =	simm.s32 $0x2;
	s23 =	simm.s32 $0x30F0;
	s9 =	smul.u32 $0x18700, s2  }
0x7: {  	s6 =	sand.u32 $0x1, s0;
	s0 =	rddreg [dreg:$0x3];
	s12 =	smul.u32 $0x18B00, s2  }
0x8: {  	s24 =	simm.s32 $0x0;
	[smem:$0x7FF] =	sst s4;
	s13 =	smul.u32 $0x3160, s2  }
0x9: {  	s26 =	sadd.s32 $0x3A1400, s5;
	s11 =	sadd.s32 $0x800, s5;
	s7 =	smul.u32 $0x30D40, s6  }
0xa: {  	s31 =	sshll.u32 s2, $0x6;
	s8 =	smul.u32 $0x187000, s6;
	s6 =	ssub.s32 $0x2, s6  }
0xb: {  	_ =	strace $0x8000004A;
	s28 =	sshrl.u32 s6, $0x1;
	s29 =	sadd.s32 $0x278, s12  }
0xc: {  	s16 =	sadd.s32 s9, s3;
	s10 =	sadd.s32 s7, s5;
	s8 =	sadd.s32 s9, s8  }
0xd: {  	s30 =	ssub.s32 s6, s28;
	s6 =	sadd.s32 s11, s13;
	s9 =	sor.u32 $0x1C04, s31  }
0xe: {  	s16 =	sshrl.u32 s16, $0x3;
	s8 =	sshrl.u32 s8, $0x3;
	s10 =	sadd.s32 $0x33F200, s10  }
0xf: {  	s12 =	smax.u32 s30, $0x1;
	s14 =	sadd.s32 s8, s5;
	s8 =	sshrl.u32 s29, $0x3  }
0x10: {  	s5 =	sadd.s32 s26, s13;
	s13 =	simm.s32 $0x4F0;
	s7 =	sadd.s32 s26, s8  }
0x11: {  	s8 =	sadd.s32 s11, s8;
	s11 =	sadd.s32 $0x31E00, s14;
	s14 =	simm.s32 $0x278  }
.LBB2_1:
0x12: {  	[tilespmem:s4], [sflag:$0x1] =	stream.linear.gather [hbm4b:s5+s4], $0x278, $0x38;
	[tilespmem:$0x1DF00] =	vst v63  }
0x13: {  	_ = 	snop  }
0x14: {  	[tilespmem:s13], [sflag:$0x1] =	stream.linear.gather [hbm4b:s6+s4], $0x278, $0x38;
	[tilespmem:$0x1DF00] =	vst v63  }
0x15: {  	_ = 	snop  }
0x16: {  	[tilespmem:s14], [sflag:$0x2] =	stream.linear.gather [hbm4b:s7+s4], $0x278, $0x38;
	[tilespmem:$0x1DF00] =	vst v63  }
0x17: {  	_ = 	snop  }
0x18: {  	[tilespmem:s15], [sflag:$0x2] =	stream.linear.gather [hbm4b:s8+s4], $0x278, $0x38;
	[tilespmem:$0x1DF00] =	vst v63  }
0x19: {  	[spmem:s16], [sflag:s9] =	dma.local [hbm:s1], $0x30E0  }
0x1a: {  	_ =	swait.ge [sflag:s17], $0x30E0  }
0x1b: {  	[sflag:s17] =	ssyncset.done $0x0  }
0x1c: {  	[sflag:s17] =	ssyncadd.s32 $0xFFFFCF20  }
0x1d: {  	[bflag:$0x0] =	sbarrier.arrive $0xFFFF  }
0x1e: {  	_ =	swait.ge [sflag:s18], $0x278  }
0x1f: {  	[sflag:s18] =	ssyncset.done $0x0  }
0x20: {  	[sflag:s18] =	ssyncadd.s32 $0xFFFFFD88  }
0x21: {  	_ =	swait.ge [sflag:s18], $0x278  }
0x22: {  	[sflag:s18] =	ssyncset.done $0x0  }
0x23: {  	[sflag:s18] =	ssyncadd.s32 $0xFFFFFD88  }
0x24: {  	[tilespmem:s20], [sflag:$0x3] =	stream.indirect.gather [hbm4b:s10+s19], $0x10, s4, s19, $0xb8;
	[tilespmem:$0x1DF00] =	vst v63  }
0x25: {  	_ =	swait.ge [sflag:s21], $0x2710  }
0x26: {  	[sflag:s21] =	ssyncset.done $0x0  }
0x27: {  	[sflag:s21] =	ssyncadd.s32 $0xFFFFD8F0  }
0x28: {  	_ =	swait.ge [sflag:s22], $0x278  }
0x29: {  	[sflag:s22] =	ssyncset.done $0x0  }
0x2a: {  	[sflag:s22] =	ssyncadd.s32 $0xFFFFFD88  }
0x2b: {  	_ =	swait.ge [sflag:s22], $0x278  }
0x2c: {  	[sflag:s22] =	ssyncset.done $0x0  }
0x2d: {  	[sflag:s22] =	ssyncadd.s32 $0xFFFFFD88  }
0x2e: {  	[tilespmem:s23], [sflag:$0x3] =	stream.indirect.gather [hbm4b:s10+s19], $0x10, s14, s19, $0xb8;
	[tilespmem:$0x1DF00] =	vst v63  }
0x2f: {  	_ = 	snop  }
0x30: {  	[spmem:s3] =	stream.indirect.scatter.add.f32 [tilespmem:s20], [sflag:$0x4], $0x10, s13, s19, $0xb8;
	[tilespmem:$0x1DF00] =	vst v63  }
0x31: {  	_ =	swait.ge [sflag:s17], $0x2710  }
0x32: {  	s25 =	sadd.s32 $0xFFFFCF3E, s5;
	[sflag:s17] =	ssyncset.done $0x0  }
0x33: {  	s28 =	sadd.s32 $0xFFFFCF3E, s6;
	s26 =	sadd.s32 $0x3160, s25;
	[sflag:s17] =	ssyncadd.s32 $0xFFFFD8F0  }
0x34: {  	[tilespmem:s4], [sflag:$0x1] =	stream.linear.gather [hbm4b:s26+s4], $0x278, $0x38;
	[tilespmem:$0x1DF00] =	vst v63  }
0x35: {  	s30 =	sadd.s32 $0x3160, s28  }
0x36: {  	[tilespmem:s13], [sflag:$0x1] =	stream.linear.gather [hbm4b:s30+s4], $0x278, $0x38;
	[tilespmem:$0x1DF00] =	vst v63  }
0x37: {  	_ =	swait.ge [sflag:s21], $0x2710  }
0x38: {  	[sflag:s21] =	ssyncset.done $0x0  }
0x39: {  	[sflag:s21] =	ssyncadd.s32 $0xFFFFD8F0  }
0x3a: {  	[spmem:s3] =	stream.indirect.scatter.add.f32 [tilespmem:s23], [sflag:$0x4], $0x10, s15, s19, $0xb8;
	[tilespmem:$0x1DF00] =	vst v63  }
0x3b: {  	_ =	swait.ge [sflag:s17], $0x2710  }
0x3c: {  	[sflag:s17] =	ssyncset.done $0x0  }
0x3d: {  	s25 =	sadd.s32 $0x31AF, s25;
	[sflag:s17] =	ssyncadd.s32 $0xFFFFD8F0  }
0x3e: {  	[tilespmem:s14], [sflag:$0x2] =	stream.linear.gather [hbm4b:s25+s4], $0x278, $0x38;
	[tilespmem:$0x1DF00] =	vst v63  }
0x3f: {  	s31 =	sadd.s32 $0x31AF, s28  }
0x40: {  	[tilespmem:s15], [sflag:$0x2] =	stream.linear.gather [hbm4b:s31+s4], $0x278, $0x38;
	[tilespmem:$0x1DF00] =	vst v63  }
0x41: {  	_ =	swait.ge [sflag:s18], $0x278  }
0x42: {  	[sflag:s18] =	ssyncset.done $0x0  }
0x43: {  	[sflag:s18] =	ssyncadd.s32 $0xFFFFFD88  }
0x44: {  	_ =	swait.ge [sflag:s18], $0x278  }
0x45: {  	[sflag:s18] =	ssyncset.done $0x0  }
0x46: {  	s25 =	simm.s32 $0xFFFFCFDC;
	[sflag:s18] =	ssyncadd.s32 $0xFFFFFD88  }
.LBB2_2:
0x47: {  	[tilespmem:s20], [sflag:$0x3] =	stream.indirect.gather [hbm4b:s10+s19], $0x10, s4, s19, $0xb8;
	[tilespmem:$0x1DF00] =	vst v63  }
0x48: {  	s26 =	smov.u32 s25  }
0x49: {  	p0 =	sne.s32 s25, $0xFFFFFF62;
	s25 =	sadd.s32 $0x9E, s25;
	_ =	swait.ge [sflag:s21], $0x2710  }
0x4a: {  	[sflag:s21] =	ssyncset.done $0x0  }
0x4b: {  	[sflag:s21] =	ssyncadd.s32 $0xFFFFD8F0  }
0x4c: {  	_ =	swait.ge [sflag:s22], $0x278  }
0x4d: {  	[sflag:s22] =	ssyncset.done $0x0  }
0x4e: {  	[sflag:s22] =	ssyncadd.s32 $0xFFFFFD88  }
0x4f: {  	_ =	swait.ge [sflag:s22], $0x278  }
0x50: {  	[sflag:s22] =	ssyncset.done $0x0  }
0x51: {  	[sflag:s22] =	ssyncadd.s32 $0xFFFFFD88  }
0x52: {  	[tilespmem:s23], [sflag:$0x3] =	stream.indirect.gather [hbm4b:s10+s19], $0x10, s14, s19, $0xb8;
	[tilespmem:$0x1DF00] =	vst v63  }
0x53: {  	_ = 	snop  }
0x54: {  	[spmem:s3] =	stream.indirect.scatter.add.f32 [tilespmem:s20], [sflag:$0x4], $0x10, s13, s19, $0xb8;
	[tilespmem:$0x1DF00] =	vst v63  }
0x55: {  	_ =	swait.ge [sflag:s17], $0x2710  }
0x56: {  	s28 =	sadd.s32 s26, s5;
	[sflag:s17] =	ssyncset.done $0x0  }
0x57: {  	s26 =	sadd.s32 s26, s6;
	s29 =	sadd.s32 $0x3160, s28;
	[sflag:s17] =	ssyncadd.s32 $0xFFFFD8F0  }
0x58: {  	[tilespmem:s4], [sflag:$0x1] =	stream.linear.gather [hbm4b:s29+s4], $0x278, $0x38;
	[tilespmem:$0x1DF00] =	vst v63  }
0x59: {  	s29 =	sadd.s32 $0x3160, s26  }
0x5a: {  	[tilespmem:s13], [sflag:$0x1] =	stream.linear.gather [hbm4b:s29+s4], $0x278, $0x38;
	[tilespmem:$0x1DF00] =	vst v63  }
0x5b: {  	_ =	swait.ge [sflag:s21], $0x2710  }
0x5c: {  	[sflag:s21] =	ssyncset.done $0x0  }
0x5d: {  	[sflag:s21] =	ssyncadd.s32 $0xFFFFD8F0  }
0x5e: {  	[spmem:s3] =	stream.indirect.scatter.add.f32 [tilespmem:s23], [sflag:$0x4], $0x10, s15, s19, $0xb8;
	[tilespmem:$0x1DF00] =	vst v63  }
0x5f: {  	_ =	swait.ge [sflag:s17], $0x2710  }
0x60: {  	[sflag:s17] =	ssyncset.done $0x0  }
0x61: {  	s28 =	sadd.s32 $0x31AF, s28;
	[sflag:s17] =	ssyncadd.s32 $0xFFFFD8F0  }
0x62: {  	[tilespmem:s14], [sflag:$0x2] =	stream.linear.gather [hbm4b:s28+s4], $0x278, $0x38;
	[tilespmem:$0x1DF00] =	vst v63  }
0x63: {  	s26 =	sadd.s32 $0x31AF, s26  }
0x64: {  	[tilespmem:s15], [sflag:$0x2] =	stream.linear.gather [hbm4b:s26+s4], $0x278, $0x38;
	[tilespmem:$0x1DF00] =	vst v63  }
0x65: {  	_ =	swait.ge [sflag:s18], $0x278  }
.Ltmp0:
0x66: {  	[sflag:s18] =	ssyncset.done $0x0;
	(pc) =	sbr.rel @p0 .LBB2_2-.Ltmp0, $4  }
0x67: {  	[sflag:s18] =	ssyncadd.s32 $0xFFFFFD88  }
0x68: {  	_ =	swait.ge [sflag:s18], $0x278  }
0x69: {  	[sflag:s18] =	ssyncset.done $0x0  }
0x6a: {  	[sflag:s18] =	ssyncadd.s32 $0xFFFFFD88  }
0x6b: {  	[tilespmem:s20], [sflag:$0x3] =	stream.indirect.gather [hbm4b:s10+s19], $0x10, s4, s19, $0xb8;
	[tilespmem:$0x1DF00] =	vst v63  }
0x6c: {  	_ =	swait.ge [sflag:s21], $0x2710  }
0x6d: {  	[sflag:s21] =	ssyncset.done $0x0  }
0x6e: {  	[sflag:s21] =	ssyncadd.s32 $0xFFFFD8F0  }
0x6f: {  	_ =	swait.ge [sflag:s22], $0x278  }
0x70: {  	[sflag:s22] =	ssyncset.done $0x0  }
0x71: {  	[sflag:s22] =	ssyncadd.s32 $0xFFFFFD88  }
0x72: {  	_ =	swait.ge [sflag:s22], $0x278  }
0x73: {  	[sflag:s22] =	ssyncset.done $0x0  }
0x74: {  	[sflag:s22] =	ssyncadd.s32 $0xFFFFFD88  }
0x75: {  	[tilespmem:s23], [sflag:$0x3] =	stream.indirect.gather [hbm4b:s10+s19], $0x10, s14, s19, $0xb8;
	[tilespmem:$0x1DF00] =	vst v63  }
0x76: {  	_ = 	snop  }
0x77: {  	[spmem:s3] =	stream.indirect.scatter.add.f32 [tilespmem:s20], [sflag:$0x4], $0x10, s13, s19, $0xb8;
	[tilespmem:$0x1DF00] =	vst v63  }
0x78: {  	_ =	swait.ge [sflag:s17], $0x2710  }
0x79: {  	[sflag:s17] =	ssyncset.done $0x0  }
0x7a: {  	[sflag:s17] =	ssyncadd.s32 $0xFFFFD8F0  }
0x7b: {  	_ =	swait.ge [sflag:s21], $0x2710  }
0x7c: {  	[sflag:s21] =	ssyncset.done $0x0  }
0x7d: {  	[sflag:s21] =	ssyncadd.s32 $0xFFFFD8F0  }
0x7e: {  	[spmem:s3] =	stream.indirect.scatter.add.f32 [tilespmem:s23], [sflag:$0x4], $0x10, s15, s19, $0xb8;
	[tilespmem:$0x1DF00] =	vst v63  }
0x7f: {  	_ =	swait.ge [sflag:s17], $0x2710  }
0x80: {  	s24 =	sadd.s32 $0x1, s24;
	[sflag:s17] =	ssyncset.done $0x0  }
0x81: {  	p0 =	sne.s32 s24, s12;
	[sflag:s17] =	ssyncadd.s32 $0xFFFFD8F0  }
.Ltmp1:
0x82: {  	[bflag:$0x0] =	sbarrier.arrive $0xFFFF;
	(pc) =	sbr.rel @p0 .LBB2_1-.Ltmp1, $4  }
0x83: {  	[hbm:s11], [sflag:s9] =	dma.local [spmem:s16], $0x30E0  }
0x84: {  	_ =	swait.ge [sflag:s17], $0x30E0  }
0x85: {  	[sflag:s17] =	ssyncset.done $0x0  }
0x86: {  	[sflag:s17] =	ssyncadd.s32 $0xFFFFCF20  }
0x87: {  	_ =	sfence.sel $0x180000  }
0x88: {  	[bflag:$0x0] =	sbarrier.arrive $0xFFFF  }
0x89: {  	p0 =	sne.s32 s2, $0x0;
	_ =	strace $0x9000004A  }
0x8a: {  	s0 =	sadd.s32 @!p0 $0x100000, s0;
	[bflag:$0x2] =	sbarrier.arrive $0xFFFF  }
0x8b: {  	[sflag:s0] =	ssyncadd.tile.s32 @!p0 $0x1;
	_ =	shalt  }
.Lfunc_end2:
_tile_overlayer_lowered:
.L_overlay_start_2:
0x8c: {  	(tag) =	ssettag $0x2  }
0x8d: {  	s0 =	rddreg [dreg:$0x0];
	s2 =	stileid.u32  }
0x8e: {  	s1 =	rddreg [dreg:$0x1];
	p0 =	sne.s32 s2, $0x0  }
0x8f: {  	s3 =	rddreg [dreg:$0x2];
	[bflag:$0x3] =	sbarrier.arrive $0xFFFF;
	s2 =	simm.s32 @!p0 $0x1C04  }
0x90: {  	[timem:s3], [sflag:s2] =	dma.local @!p0 [hbm:s0], s1  }
0x91: {  	s0 =	simm.s32 @!p0 $0x4  }
0x92: {  	_ =	swait.ge @!p0 [sflag:s0], s1  }
0x93: {  	s1 =	ssub.s32 @!p0 $0x0, s1;
	[sflag:s0] =	ssyncset.done @!p0 $0x0  }
0x94: {  	[sflag:s0] =	ssyncadd.s32 @!p0 s1  }
0x95: {  	[bflag:$0x3] =	sbarrier.arrive $0xFFFF  }
0x96: {  	_ =	shalt  }

// kernel: kernel.16.cloned.1.call-start
scs
__scs_entry_jumppad:
0x0: {  	(pc) =	sbr.rel $0x88, $3  }
0x1: {  	(tag) =	ssettag $0x0;
	lr =	simm.s32 $0x1  }
0x2: {  	[smem:$0x3F99] =	sst lr;
	_ =	strace $0xD0000000  }
0x3: {  	_ = 	snop  }
0x4: {  	_ = 	snop  }
0x5: {  	_ = 	snop  }
0x6: {  	_ = 	snop  }
0x7: {  	_ = 	snop  }
__scs_overlays_trampoline_lowered:
0x8: {  	[smem:$0x3FA8] =	sst s0  }
0x9: {  	[smem:$0x3FA9] =	sst s1  }
0xa: {  	[smem:$0x3FAA] =	sst s2  }
0xb: {  	[smem:$0x3FAB] =	sst s3  }
0xc: {  	[smem:$0x3FAC] =	sst s4  }
0xd: {  	[smem:$0x3FAD] =	sst s5  }
0xe: {  	[smem:$0x3FAE] =	sst s6  }
0xf: {  	[smem:$0x3FAF] =	sst s7  }
0x10: {  	[smem:$0x3FB0] =	sst s8  }
0x11: {  	[smem:$0x3FB1] =	sst s9;
	s0 =	simm.s32 @!p0 $0x0  }
0x12: {  	s1 =	sld [smem:$0x3F97];
	s0 =	simm.s32 @p0 $0x1  }
0x13: {  	[smem:$0x3FB2] =	sst s0;
	s0 =	simm.s32 @!p1 $0x0  }
0x14: {  	s2 =	sld [smem:$0x3F96];
	s0 =	simm.s32 @p1 $0x1  }
0x15: {  	[smem:$0x3FB3] =	sst s0;
	s0 =	simm.s32 @!p2 $0x0  }
0x16: {  	s3 =	sld [smem:$0x3FDB];
	s0 =	simm.s32 @p2 $0x1  }
0x17: {  	s4 =	simm.s32 $0x1BF5;
	[smem:$0x3FB5] =	sst s0  }
0x18: {  	s0 =	sld [smem:$0x3F98];
	_ =	swait.ge [sflag:s4], $0x0  }
0x19: {  	s7 =	sld [smem:$0x3F99]  }
0x1a: {  	s8 =	sadd.s32 $0xFFFFE003, lr  }
0x1b: {  	s9 =	sadd.s32 $0xFFFFFEF7, lr;
	s5 =	simm.s32 $0xFFFFFFFF;
	p2 =	slt.u32 s8, $0xFFFFF086  }
0x1c: {  	p1 =	slt.u32 s9, $0xF7A;
	s5 =	simm.s32 @!p2 $0x0  }
0x1d: {  	s5 =	simm.s32 @p1 $0x1;
	p0 =	seq.s32 s7, s2  }
0x1e: {  	s7 =	smul.u32 @!p0 $0xF7A, s2;
	p2 =	seq.s32 @!p0 s5, $0x0  }
0x1f: {  	s9 =	smul.u32 $0xF7A, s1;
	s8 =	simm.s32 @!p0 $0x1BF5;
	p2 =	por !p2, p0  }
0x20: {  	[sflag:s8] =	ssyncset.s32 @!p0 $0xFFFFF086;
	s6 =	sadd.s32 @!p0 s3, s7;
	s7 =	simm.s32 @!p0 $0x108  }
0x21: {  	s3 =	sadd.s32 s3, s9;
	s6 =	sadd.s32 @!p0 $0x88, s6;
	s7 =	simm.s32 @p2 $0x1082  }
0x22: {  	[simem:s7], [sflag:s8] =	dma.local @!p0 [hbm:s6], $0xF7A  }
0x23: {  	s9 =	sor.u32 $0xD0000000, s2;
	s6 =	simm.s32 $0x108;
	_ =	swait.ge @!p0 [sflag:s8], $0x0  }
0x24: {  	s3 =	sadd.s32 $0x88, s3;
	s6 =	simm.s32 @!p1 $0x1082;
	[sflag:s4] =	ssyncset.s32 $0xFFFFF086  }
0x25: {  	[simem:s6], [sflag:s4] =	dma.local [hbm:s3], $0xF7A  }
0x26: {  	[smem:$0x3F99] =	sst s1;
	(tag) =	ssettag s2;
	_ =	strace s9  }
0x27: {  	s1 =	sld [smem:$0x3FA9]  }
0x28: {  	s2 =	sld [smem:$0x3FAA]  }
0x29: {  	s4 =	sld [smem:$0x3FAC]  }
0x2a: {  	p0 =	seq.s32 s5, $0x0;
	s5 =	sld [smem:$0x3FAD]  }
0x2b: {  	s6 =	sld [smem:$0x3FAE]  }
0x2c: {  	s7 =	sld [smem:$0x3FAF]  }
0x2d: {  	s3 =	simm.s32 $0x108;
	s8 =	sld [smem:$0x3FB0]  }
0x2e: {  	s3 =	simm.s32 @!p0 $0x1082;
	s9 =	sld [smem:$0x3FB1]  }
0x2f: {  	lr =	sadd.s32 s0, s3;
	s0 =	sld [smem:$0x3FA8]  }
0x30: {  	s3 =	sld [smem:$0x3FAB]  }
0x31: {  	[smem:$0x3FB4] =	sst s10  }
0x32: {  	s10 =	sld [smem:$0x3FB2];
	_ =	sdelay $0x3  }
0x33: {  	p0 =	seq.s32 s10, $0x1;
	s10 =	sld [smem:$0x3FB4];
	_ =	sdelay $0x3  }
0x34: {  	[smem:$0x3FB4] =	sst s10  }
0x35: {  	s10 =	sld [smem:$0x3FB3];
	_ =	sdelay $0x3  }
0x36: {  	p1 =	seq.s32 s10, $0x1;
	s10 =	sld [smem:$0x3FB4];
	_ =	sdelay $0x3  }
0x37: {  	[smem:$0x3FB4] =	sst s10  }
0x38: {  	s10 =	sld [smem:$0x3FB5]  }
0x39: {  	_ = 	snop;
	(pc) =	sbr.ind lr, $3  }
0x3a: {  	_ = 	snop  }
0x3b: {  	_ = 	snop  }
0x3c: {  	p2 =	seq.s32 s10, $0x1;
	s10 =	sld [smem:$0x3FB4]  }
0x3d: {  	_ =	shalt  }
0x3e: {  	_ =	shalt  }
0x3f: {  	_ =	shalt  }
0x40: {  	_ =	shalt  }
0x41: {  	_ =	shalt  }
0x42: {  	_ =	shalt  }
0x43: {  	_ =	shalt  }
0x44: {  	_ =	shalt  }
0x45: {  	_ =	shalt  }
0x46: {  	_ =	shalt  }
0x47: {  	_ =	shalt  }
0x48: {  	_ =	shalt  }
0x49: {  	_ =	shalt  }
0x4a: {  	_ =	shalt  }
0x4b: {  	_ =	shalt  }
0x4c: {  	_ =	shalt  }
0x4d: {  	_ =	shalt  }
0x4e: {  	_ =	shalt  }
0x4f: {  	_ =	shalt  }
0x50: {  	_ =	shalt  }
0x51: {  	_ =	shalt  }
0x52: {  	_ =	shalt  }
0x53: {  	_ =	shalt  }
0x54: {  	_ =	shalt  }
0x55: {  	_ =	shalt  }
0x56: {  	_ =	shalt  }
0x57: {  	_ =	shalt  }
0x58: {  	_ =	shalt  }
0x59: {  	_ =	shalt  }
0x5a: {  	_ =	shalt  }
0x5b: {  	_ =	shalt  }
0x5c: {  	_ =	shalt  }
0x5d: {  	_ =	shalt  }
0x5e: {  	_ =	shalt  }
0x5f: {  	_ =	shalt  }
0x60: {  	_ =	shalt  }
0x61: {  	_ =	shalt  }
0x62: {  	_ =	shalt  }
0x63: {  	_ =	shalt  }
0x64: {  	_ =	shalt  }
0x65: {  	_ =	shalt  }
0x66: {  	_ =	shalt  }
0x67: {  	_ =	shalt  }
0x68: {  	_ =	shalt  }
0x69: {  	_ =	shalt  }
0x6a: {  	_ =	shalt  }
0x6b: {  	_ =	shalt  }
0x6c: {  	_ =	shalt  }
0x6d: {  	_ =	shalt  }
0x6e: {  	_ =	shalt  }
0x6f: {  	_ =	shalt  }
0x70: {  	_ =	shalt  }
0x71: {  	_ =	shalt  }
0x72: {  	_ =	shalt  }
0x73: {  	_ =	shalt  }
0x74: {  	_ =	shalt  }
0x75: {  	_ =	shalt  }
0x76: {  	_ =	shalt  }
0x77: {  	_ =	shalt  }
0x78: {  	_ =	shalt  }
0x79: {  	_ =	shalt  }
0x7a: {  	_ =	shalt  }
0x7b: {  	_ =	shalt  }
0x7c: {  	_ =	shalt  }
0x7d: {  	_ =	shalt  }
0x7e: {  	_ =	shalt  }
0x7f: {  	_ =	shalt  }
0x80: {  	_ =	shalt  }
0x81: {  	_ =	shalt  }
0x82: {  	_ =	shalt  }
0x83: {  	_ =	shalt  }
0x84: {  	_ =	shalt  }
0x85: {  	_ =	shalt  }
0x86: {  	_ =	shalt  }
0x87: {  	_ =	shalt  }
.Lfunc_end0:
.L_simem_size_0:
called_computation.2_lowered:
.L_overlay_start_0:
0x88: {  	s2 =	sld [smem:$0x3FD9]  }
0x89: {  	s3 =	sld [smem:$0x3FFE];
	_ =	sdelay $0x1  }
0x8a: {  	s1 =	srdreg.scid  }
0x8b: {  	s0 =	sand.u32 $0x1, s1  }
0x8c: {  	s17 =	sshll.u32 s0, $0xA;
	s2 =	sadd.s32 s3, s2  }
0x8d: {  	s2 =	sadd.s32 s2, s17  }
0x8e: {  	[smem:$0x3FC0] =	sst s2  }
0x8f: {  	_ = 	snop  }
0x90: {  	s2 =	sld [smem:$0x3FD0];
	(tm) =	ssettm $0x1  }
0x91: {  	s18 =	sld [smem:$0x3FFB];
	_ =	sdelay $0x3  }
0x92: {  	_ =	strace s18  }
0x93: {  	s3 =	sld [smem:$0x3FFC];
	_ =	sdelay $0x3  }
0x94: {  	_ =	strace s3  }
0x95: {  	s3 =	sld [smem:$0x3FFD];
	_ =	sdelay $0x3  }
0x96: {  	_ =	strace s3  }
0x97: {  	_ =	strace $0x8FFFFFFF  }
0x98: {  	s19 =	sld [smem:$0x3FDB];
	_ =	sdelay $0x1  }
0x99: {  	s4 =	simm.s32 $_scs_section_size  }
0x9a: {  	s5 =	simm.s32 $_size__tile_overlayer_lowered;
	s6 =	simm.s32 $_tile_overlayer_lowered  }
0x9b: {  	s22 =	simm.s32 $0x1BFF;
	s21 =	sshll.u32 s6, $0x1;
	s3 =	sadd.s32 s4, s19  }
0x9c: {  	s7 =	simm.s32 $0x0;
	s20 =	sshll.u32 s5, $0x1;
	s5 =	sadd.s32 s21, s3  }
0x9d: {  	[timem:s7], [sflag:s22] =	dma.local [hbm:s5], s20  }
0x9e: {  	_ =	swait.ge [sflag:s22], s20  }
0x9f: {  	s4 =	ssub.s32 $0x0, s20;
	[sflag:s22] =	ssyncset.done $0x0  }
0xa0: {  	[sflag:s22] =	ssyncadd.s32 s4;
	_ =	sdelay $0x1  }
0xa1: {  	s23 =	simm.s32 $0x1B8B  }
0xa2: {  	_ =	swait.ge [sflag:s23], $0x1  }
0xa3: {  	[sflag:s23] =	ssyncset.done $0x0  }
0xa4: {  	s25 =	simm.s32 $0x1B8E;
	s24 =	sld [smem:$0x3FFE];
	[sflag:s23] =	ssyncadd.s32 $0xFFFFFFFF  }
0xa5: {  	s26 =	simm.s32 $execute0_lowered;
	[smem:$0x3FD2] =	sst s25  }
0xa6: {  	s5 =	sshll.u32 s26, $0x1;
	_ =	strace $0x8000004C;
	[dreg:$0x1] =	wrdreg $0xFFFFFFFF  }
0xa7: {  	s28 =	simm.s32 $_size_execute0_lowered;
	s3 =	sadd.s32 s3, s5;
	[dreg:$0x0] =	wrdreg $0x0  }
0xa8: {  	s5 =	sshll.u32 s28, $0x1;
	[dreg:$0x2] =	wrdreg s3  }
0xa9: {  	[dreg:$0x3] =	wrdreg s5  }
0xaa: {  	[dreg:$0x4] =	wrdreg $0xC0  }
0xab: {  	_ =	task [dreg:s7], $0x5FFFF  }
0xac: {  	[dreg:$0x1] =	wrdreg $0xFFFFFFFF  }
0xad: {  	[dreg:$0x0] =	wrdreg $0x60  }
0xae: {  	[dreg:$0x2] =	wrdreg s24  }
0xaf: {  	[dreg:$0x3] =	wrdreg s2  }
0xb0: {  	[dreg:$0x4] =	wrdreg $0x58000  }
0xb1: {  	[dreg:$0x5] =	wrdreg $0x9  }
0xb2: {  	_ =	task.clear_ibuf [dreg:s7], $0x6FFFF;
	_ =	strace $0x9000004C  }
0xb3: {  	s29 =	simm.s32 $0x9;
	_ =	strace $0x8000004E  }
0xb4: {  	_ =	swait.ge [sflag:s29], $0x1  }
0xb5: {  	[sflag:s29] =	ssyncadd.s32 $0xFFFFFFFF  }
0xb6: {  	_ =	strace $0x9000004E  }
0xb7: {  	_ =	sfence  }
0xb8: {  	s30 =	sld [smem:$0x0];
	_ =	sdelay $0x2  }
0xb9: {  	s31 =	sshll.u32 s1, $0xD;
	s1 =	sshrl.u32 s1, $0x2  }
0xba: {  	s3 =	sand.u32 $0x4000, s31;
	s1 =	sadd.s32 s1, s30  }
0xbb: {  	s0 =	sor.u32 s3, s0;
	s1 =	sshll.u32 s1, $0x11  }
0xbc: {  	s0 =	sor.u32 s1, s0  }
0xbd: {  	s0 =	sadd.s32 $0x8F2B, s0  }
0xbe: {  	[sflag:s0] =	ssyncadd.remote.s32 $0x1  }
0xbf: {  	_ =	sfence.sel $0xFFFF  }
0xc0: {  	[dreg:$0x0] =	wrdreg $0xFFFFFFFF;
	(pc) =	sbr.abs _section_cstart, $3  }
0xc1: {  	[dreg:$0x1] =	wrdreg $0xFFFFFFFF  }
0xc2: {  	_ =	task.clear_ibuf [dreg:s7], $0x2FFFF;
	_ =	strace $0x9FFFFFFF  }
0xc3: {  	(tm) =	ssettm $0x7FFFFFFF  }
tec
execute0_lowered:
.L_overlay_start_1:
0x0: {  	(tag) =	ssettag $0x1  }
0x1: {  	s6 =	rddreg [dreg:$0x0]  }
0x2: {  	s2 =	rddreg [dreg:$0x1];
	s0 =	stileid.u32  }
0x3: {  	s1 =	srdreg.scid;
	s10 =	smul.u32 $0x18700, s0  }
0x4: {  	s3 =	rddreg [dreg:$0x2];
	s4 =	simm.s32 $0x0;
	s8 =	smul.u32 $0x50, s0  }
0x5: {  	s28 =	simm.s32 $0x30F0;
	s29 =	simm.s32 $0x0;
	s18 =	smul.u32 $0xC580, s0  }
0x6: {  	s12 =	sand.u32 $0x1, s1;
	[smem:$0x7FF] =	sst s4;
	s31 =	smul.u32 $0x18B0, s0  }
0x7: {  	s5 =	sadd.s32 $0x31E00, s6;
	s15 =	sadd.s32 $0x3A1400, s6;
	s7 =	smul.u32 $0x500, s12  }
0x8: {  	s16 =	sadd.s32 $0x800, s6;
	s25 =	sshll.u32 s0, $0x6;
	s9 =	smul.u32 $0x187000, s12  }
0x9: {  	_ =	strace $0x8000004D;
	s22 =	ssub.s32 $0x2, s12;
	s17 =	smul.u32 $0xC5800, s12  }
0xa: {  	s26 =	smul.u32 $0x18B00, s12;
	s13 =	sshrl.u32 s22, $0x1;
	s7 =	sadd.s32 s8, s7  }
0xb: {  	s21 =	sadd.s32 s10, s9;
	s13 =	ssub.s32 s22, s13;
	s10 =	sadd.s32 s10, s3  }
0xc: {  	s17 =	sadd.s32 s18, s17;
	s20 =	sadd.s32 s26, s15;
	s18 =	sadd.s32 s26, s16  }
0xd: {  	s22 =	simm.s32 $0x1;
	s26 =	simm.s32 $0x2;
	s11 =	smul.u32 $0x278, s7  }
0xe: {  	s8 =	sshrl.u32 s21, $0x3;
	s7 =	smul.u32 $0x4F, s7;
	s30 =	sadd.s32 $0x768, s17  }
0xf: {  	s13 =	smax.u32 s13, $0x1;
	s20 =	sadd.s32 s31, s20;
	s17 =	sadd.s32 s31, s18  }
0x10: {  	s18 =	simm.s32 $0x4F0;
	s21 =	simm.s32 $0x4;
	s14 =	sadd.s32 s8, s6  }
0x11: {  	s19 =	sshrl.u32 s30, $0x3;
	s17 =	sadd.s32 $0x9E, s17;
	s23 =	sadd.s32 $0x278, s11  }
0x12: {  	s6 =	sadd.s32 s15, s7;
	s7 =	sadd.s32 s16, s7;
	s11 =	sor.u32 $0x1C04, s25  }
0x13: {  	s12 =	sadd.s32 $0x62C00, s14;
	s14 =	sadd.s32 s19, s16;
	s24 =	sshrl.u32 s23, $0x3  }
0x14: {  	s25 =	simm.s32 $0x3;
	s23 =	simm.s32 $0x271;
	s8 =	sadd.s32 s15, s24  }
0x15: {  	s9 =	sadd.s32 s16, s24;
	s15 =	sadd.s32 s19, s15;
	s16 =	sadd.s32 $0x9E, s20  }
0x16: {  	s19 =	simm.s32 $0x278;
	s20 =	simm.s32 $0x768;
	s24 =	simm.s32 $0x9E0  }
.LBB2_1:
0x17: {  	[tilespmem:s4], [sflag:$0x1] =	stream.linear.gather [hbm4b:s6+s4], $0x278, $0x38;
	[tilespmem:$0x1DF00] =	vst v63  }
0x18: {  	_ = 	snop  }
0x19: {  	[tilespmem:s18], [sflag:$0x1] =	stream.linear.gather [hbm4b:s7+s4], $0x278, $0x38;
	[tilespmem:$0x1DF00] =	vst v63  }
0x1a: {  	_ = 	snop  }
0x1b: {  	[tilespmem:s19], [sflag:$0x2] =	stream.linear.gather [hbm4b:s8+s4], $0x278, $0x38;
	[tilespmem:$0x1DF00] =	vst v63  }
0x1c: {  	s30 =	sshrl.u32 s10, $0x3  }
0x1d: {  	[tilespmem:s20], [sflag:$0x2] =	stream.linear.gather [hbm4b:s9+s4], $0x278, $0x38;
	[tilespmem:$0x1DF00] =	vst v63  }
0x1e: {  	[spmem:s30], [sflag:s11] =	dma.local [hbm:s2], $0x30E0  }
0x1f: {  	_ =	swait.ge [sflag:s21], $0x30E0  }
0x20: {  	[sflag:s21] =	ssyncset.done $0x0  }
0x21: {  	[sflag:s21] =	ssyncadd.s32 $0xFFFFCF20  }
0x22: {  	[bflag:$0x0] =	sbarrier.arrive $0xFFFF  }
0x23: {  	_ =	swait.ge [sflag:s22], $0x278  }
0x24: {  	[sflag:s22] =	ssyncset.done $0x0  }
0x25: {  	[sflag:s22] =	ssyncadd.s32 $0xFFFFFD88  }
0x26: {  	_ =	swait.ge [sflag:s22], $0x278  }
0x27: {  	[sflag:s22] =	ssyncset.done $0x0  }
0x28: {  	[sflag:s22] =	ssyncadd.s32 $0xFFFFFD88  }
0x29: {  	[tilespmem:s24], [sflag:$0x3] =	stream.indirect.gather [hbm4b:s5+s23], $0x10, s4, s23, $0xb8;
	[tilespmem:$0x1DF00] =	vst v63  }
0x2a: {  	_ =	swait.ge [sflag:s25], $0x2710  }
0x2b: {  	[sflag:s25] =	ssyncset.done $0x0  }
0x2c: {  	[sflag:s25] =	ssyncadd.s32 $0xFFFFD8F0  }
0x2d: {  	_ =	swait.ge [sflag:s26], $0x278  }
0x2e: {  	[sflag:s26] =	ssyncset.done $0x0  }
0x2f: {  	[sflag:s26] =	ssyncadd.s32 $0xFFFFFD88  }
0x30: {  	_ =	swait.ge [sflag:s26], $0x278  }
0x31: {  	[sflag:s26] =	ssyncset.done $0x0  }
0x32: {  	[sflag:s26] =	ssyncadd.s32 $0xFFFFFD88  }
0x33: {  	[tilespmem:s28], [sflag:$0x3] =	stream.indirect.gather [hbm4b:s5+s23], $0x10, s19, s23, $0xb8;
	[tilespmem:$0x1DF00] =	vst v63  }
0x34: {  	_ = 	snop  }
0x35: {  	[spmem:s3] =	stream.indirect.scatter.add.f32 [tilespmem:s24], [sflag:$0x4], $0x10, s18, s23, $0xb8;
	[tilespmem:$0x1DF00] =	vst v63  }
0x36: {  	_ =	swait.ge [sflag:s21], $0x2710  }
0x37: {  	[sflag:s21] =	ssyncset.done $0x0  }
0x38: {  	s31 =	sadd.s32 $0x0, s16;
	[sflag:s21] =	ssyncadd.s32 $0xFFFFD8F0  }
0x39: {  	[tilespmem:s4], [sflag:$0x1] =	stream.linear.gather [hbm4b:s31+s4], $0x278, $0x38;
	[tilespmem:$0x1DF00] =	vst v63  }
0x3a: {  	s31 =	sadd.s32 $0x0, s17  }
0x3b: {  	[tilespmem:s18], [sflag:$0x1] =	stream.linear.gather [hbm4b:s31+s4], $0x278, $0x38;
	[tilespmem:$0x1DF00] =	vst v63  }
0x3c: {  	_ =	swait.ge [sflag:s25], $0x2710  }
0x3d: {  	[sflag:s25] =	ssyncset.done $0x0  }
0x3e: {  	[sflag:s25] =	ssyncadd.s32 $0xFFFFD8F0  }
0x3f: {  	[spmem:s3] =	stream.indirect.scatter.add.f32 [tilespmem:s28], [sflag:$0x4], $0x10, s20, s23, $0xb8;
	[tilespmem:$0x1DF00] =	vst v63  }
0x40: {  	_ =	swait.ge [sflag:s21], $0x2710  }
0x41: {  	[sflag:s21] =	ssyncset.done $0x0  }
0x42: {  	s31 =	sadd.s32 $0x0, s15;
	[sflag:s21] =	ssyncadd.s32 $0xFFFFD8F0  }
0x43: {  	[tilespmem:s19], [sflag:$0x2] =	stream.linear.gather [hbm4b:s31+s4], $0x278, $0x38;
	[tilespmem:$0x1DF00] =	vst v63  }
0x44: {  	s31 =	sadd.s32 $0x0, s14  }
0x45: {  	[tilespmem:s20], [sflag:$0x2] =	stream.linear.gather [hbm4b:s31+s4], $0x278, $0x38;
	[tilespmem:$0x1DF00] =	vst v63  }
0x46: {  	_ =	swait.ge [sflag:s22], $0x278  }
0x47: {  	[sflag:s22] =	ssyncset.done $0x0  }
0x48: {  	[sflag:s22] =	ssyncadd.s32 $0xFFFFFD88  }
0x49: {  	_ =	swait.ge [sflag:s22], $0x278  }
0x4a: {  	[sflag:s22] =	ssyncset.done $0x0  }
0x4b: {  	s31 =	simm.s32 $0x9E;
	[sflag:s22] =	ssyncadd.s32 $0xFFFFFD88  }
.LBB2_2:
0x4c: {  	[tilespmem:s24], [sflag:$0x3] =	stream.indirect.gather [hbm4b:s5+s23], $0x10, s4, s23, $0xb8;
	[tilespmem:$0x1DF00] =	vst v63  }
0x4d: {  	s1 =	smov.u32 s31  }
0x4e: {  	p0 =	sne.s32 s31, $0x1774;
	s31 =	sadd.s32 $0x9E, s31;
	_ =	swait.ge [sflag:s25], $0x2710  }
0x4f: {  	[sflag:s25] =	ssyncset.done $0x0  }
0x50: {  	[sflag:s25] =	ssyncadd.s32 $0xFFFFD8F0  }
0x51: {  	_ =	swait.ge [sflag:s26], $0x278  }
0x52: {  	[sflag:s26] =	ssyncset.done $0x0  }
0x53: {  	[sflag:s26] =	ssyncadd.s32 $0xFFFFFD88  }
0x54: {  	_ =	swait.ge [sflag:s26], $0x278  }
0x55: {  	[sflag:s26] =	ssyncset.done $0x0  }
0x56: {  	[sflag:s26] =	ssyncadd.s32 $0xFFFFFD88  }
0x57: {  	[tilespmem:s28], [sflag:$0x3] =	stream.indirect.gather [hbm4b:s5+s23], $0x10, s19, s23, $0xb8;
	[tilespmem:$0x1DF00] =	vst v63  }
0x58: {  	_ = 	snop  }
0x59: {  	[spmem:s3] =	stream.indirect.scatter.add.f32 [tilespmem:s24], [sflag:$0x4], $0x10, s18, s23, $0xb8;
	[tilespmem:$0x1DF00] =	vst v63  }
0x5a: {  	_ =	swait.ge [sflag:s21], $0x2710  }
0x5b: {  	[sflag:s21] =	ssyncset.done $0x0  }
0x5c: {  	s0 =	sadd.s32 s1, s16;
	[sflag:s21] =	ssyncadd.s32 $0xFFFFD8F0  }
0x5d: {  	[tilespmem:s4], [sflag:$0x1] =	stream.linear.gather [hbm4b:s0+s4], $0x278, $0x38;
	[tilespmem:$0x1DF00] =	vst v63  }
0x5e: {  	s0 =	sadd.s32 s1, s17  }
0x5f: {  	[tilespmem:s18], [sflag:$0x1] =	stream.linear.gather [hbm4b:s0+s4], $0x278, $0x38;
	[tilespmem:$0x1DF00] =	vst v63  }
0x60: {  	_ =	swait.ge [sflag:s25], $0x2710  }
0x61: {  	[sflag:s25] =	ssyncset.done $0x0  }
0x62: {  	[sflag:s25] =	ssyncadd.s32 $0xFFFFD8F0  }
0x63: {  	[spmem:s3] =	stream.indirect.scatter.add.f32 [tilespmem:s28], [sflag:$0x4], $0x10, s20, s23, $0xb8;
	[tilespmem:$0x1DF00] =	vst v63  }
0x64: {  	_ =	swait.ge [sflag:s21], $0x2710  }
0x65: {  	[sflag:s21] =	ssyncset.done $0x0  }
0x66: {  	s0 =	sadd.s32 s1, s15;
	[sflag:s21] =	ssyncadd.s32 $0xFFFFD8F0  }
0x67: {  	[tilespmem:s19], [sflag:$0x2] =	stream.linear.gather [hbm4b:s0+s4], $0x278, $0x38;
	[tilespmem:$0x1DF00] =	vst v63  }
0x68: {  	s0 =	sadd.s32 s1, s14  }
0x69: {  	[tilespmem:s20], [sflag:$0x2] =	stream.linear.gather [hbm4b:s0+s4], $0x278, $0x38;
	[tilespmem:$0x1DF00] =	vst v63  }
0x6a: {  	_ =	swait.ge [sflag:s22], $0x278  }
.Ltmp0:
0x6b: {  	[sflag:s22] =	ssyncset.done $0x0;
	(pc) =	sbr.rel @p0 .LBB2_2-.Ltmp0, $4  }
0x6c: {  	[sflag:s22] =	ssyncadd.s32 $0xFFFFFD88  }
0x6d: {  	_ =	swait.ge [sflag:s22], $0x278  }
0x6e: {  	[sflag:s22] =	ssyncset.done $0x0  }
0x6f: {  	[sflag:s22] =	ssyncadd.s32 $0xFFFFFD88  }
0x70: {  	[tilespmem:s24], [sflag:$0x3] =	stream.indirect.gather [hbm4b:s5+s23], $0x10, s4, s23, $0xb8;
	[tilespmem:$0x1DF00] =	vst v63  }
0x71: {  	_ =	swait.ge [sflag:s25], $0x2710  }
0x72: {  	[sflag:s25] =	ssyncset.done $0x0  }
0x73: {  	[sflag:s25] =	ssyncadd.s32 $0xFFFFD8F0  }
0x74: {  	_ =	swait.ge [sflag:s26], $0x278  }
0x75: {  	[sflag:s26] =	ssyncset.done $0x0  }
0x76: {  	[sflag:s26] =	ssyncadd.s32 $0xFFFFFD88  }
0x77: {  	_ =	swait.ge [sflag:s26], $0x278  }
0x78: {  	[sflag:s26] =	ssyncset.done $0x0  }
0x79: {  	[sflag:s26] =	ssyncadd.s32 $0xFFFFFD88  }
0x7a: {  	[tilespmem:s28], [sflag:$0x3] =	stream.indirect.gather [hbm4b:s5+s23], $0x10, s19, s23, $0xb8;
	[tilespmem:$0x1DF00] =	vst v63  }
0x7b: {  	_ = 	snop  }
0x7c: {  	[spmem:s3] =	stream.indirect.scatter.add.f32 [tilespmem:s24], [sflag:$0x4], $0x10, s18, s23, $0xb8;
	[tilespmem:$0x1DF00] =	vst v63  }
0x7d: {  	_ =	swait.ge [sflag:s21], $0x2710  }
0x7e: {  	[sflag:s21] =	ssyncset.done $0x0  }
0x7f: {  	[sflag:s21] =	ssyncadd.s32 $0xFFFFD8F0  }
0x80: {  	_ =	swait.ge [sflag:s25], $0x2710  }
0x81: {  	[sflag:s25] =	ssyncset.done $0x0  }
0x82: {  	[sflag:s25] =	ssyncadd.s32 $0xFFFFD8F0  }
0x83: {  	[spmem:s3] =	stream.indirect.scatter.add.f32 [tilespmem:s28], [sflag:$0x4], $0x10, s20, s23, $0xb8;
	[tilespmem:$0x1DF00] =	vst v63  }
0x84: {  	_ =	swait.ge [sflag:s21], $0x2710  }
0x85: {  	s29 =	sadd.s32 $0x1, s29;
	[sflag:s21] =	ssyncset.done $0x0  }
0x86: {  	p0 =	sne.s32 s29, s13;
	[sflag:s21] =	ssyncadd.s32 $0xFFFFD8F0  }
.Ltmp1:
0x87: {  	[bflag:$0x0] =	sbarrier.arrive $0xFFFF;
	(pc) =	sbr.rel @p0 .LBB2_1-.Ltmp1, $4  }
0x88: {  	[hbm:s12], [sflag:s11] =	dma.local [spmem:s30], $0x30E0  }
0x89: {  	_ =	swait.ge [sflag:s21], $0x30E0  }
0x8a: {  	[sflag:s21] =	ssyncset.done $0x0  }
0x8b: {  	[sflag:s21] =	ssyncadd.s32 $0xFFFFCF20  }
0x8c: {  	_ =	sfence.sel $0x180000  }
0x8d: {  	[bflag:$0x0] =	sbarrier.arrive $0xFFFF  }
0x8e: {  	_ =	strace $0x9000004D  }
0x8f: {  	s0 =	stileid.u32;
	[bflag:$0x2] =	sbarrier.arrive $0xFFFF  }
0x90: {  	p0 =	sne.s32 s0, $0x0;
	s0 =	rddreg [dreg:$0x3]  }
0x91: {  	s0 =	sadd.s32 @!p0 $0x100000, s0  }
0x92: {  	[sflag:s0] =	ssyncadd.tile.s32 @!p0 $0x1;
	_ =	shalt  }
.Lfunc_end2:
_tile_overlayer_lowered:
.L_overlay_start_2:
0x93: {  	(tag) =	ssettag $0x2  }
0x94: {  	s0 =	rddreg [dreg:$0x0];
	s2 =	stileid.u32  }
0x95: {  	s1 =	rddreg [dreg:$0x1];
	p0 =	sne.s32 s2, $0x0  }
0x96: {  	s3 =	rddreg [dreg:$0x2];
	[bflag:$0x3] =	sbarrier.arrive $0xFFFF;
	s2 =	simm.s32 @!p0 $0x1C04  }
0x97: {  	[timem:s3], [sflag:s2] =	dma.local @!p0 [hbm:s0], s1  }
0x98: {  	s0 =	simm.s32 @!p0 $0x4  }
0x99: {  	_ =	swait.ge @!p0 [sflag:s0], s1  }
0x9a: {  	s1 =	ssub.s32 @!p0 $0x0, s1;
	[sflag:s0] =	ssyncset.done @!p0 $0x0  }
0x9b: {  	[sflag:s0] =	ssyncadd.s32 @!p0 s1  }
0x9c: {  	[bflag:$0x3] =	sbarrier.arrive $0xFFFF  }
0x9d: {  	_ =	shalt  }

</sc_bundles>
